<compile_context>
chip_gen: v7x
topology: tpu7x:2x2x1
jax: 0.10.2.dev20260603
libtpu: 0.0.44.dev20260713+nightly
codegen_flags: <defaults>
</compile_context>

<pallas_src>
import functools

import jax
import jax.numpy as jnp
from jax import lax
from jax.experimental import pallas as pl
from jax.experimental.pallas import tpu as pltpu
from jax.experimental.pallas import tpu_sc as plsc

_S = 64
_CLASSES = 16
_M = _S * _S * _CLASSES
_N = 307200

_NC = 2
_NS = 16
_TCH = _N // _NS
_TROWS = _TCH // 128
_H = _M // _NC
_HS = _H // _NS
_NDUMP = _NS * 16
_SP = _H + _NDUMP
_SP2 = _SP + 4096
_ZS = _SP2 // _NS

_G = 16
_NGRP = _M // _G


@functools.cache
def _make_sc_flags():
    mesh = plsc.VectorSubcoreMesh(
        core_axis_name="c", subcore_axis_name="s",
        num_cores=_NC, num_subcores=_NS,
    )
    return pl.kernel(
        _sc_flags_body,
        out_type=(
            jax.ShapeDtypeStruct((_M,), jnp.int32),
            jax.ShapeDtypeStruct((_NGRP + 128,), jnp.int32),
        ),
        mesh=mesh,
        scratch_types=[
            pltpu.VMEM((_TCH,), jnp.int32),
            pltpu.VMEM((_TCH,), jnp.int32),
            pltpu.VMEM((_TCH,), jnp.int32),
            pltpu.VMEM((_TROWS, 128), jnp.int32),
            pltpu.VMEM((128,), jnp.int32),
            pltpu.VMEM((_ZS,), jnp.int32),
            pltpu.VMEM((_HS,), jnp.int32),
            pltpu.VMEM((16, 128), jnp.int32),
            pltpu.VMEM((16, 128), jnp.int32),
            pltpu.VMEM((128,), jnp.int32),
            pltpu.VMEM_SHARED((_SP2,), jnp.int32),
            pltpu.SemaphoreType.DMA,
        ],
    )


def _sc_flags_body(x_hbm, z_hbm, l_hbm, flags_hbm, needy_hbm,
                   x_v, z_v, l_v, idx_v, ones_v, zeros_v, counts_v, u_v,
                   gidx_v, needy_v, shared_counts, dma_sem):
    cid = lax.axis_index("c")
    sid = lax.axis_index("s")
    base = sid * _TCH
    hbase = cid * _H
    iota16 = jnp.arange(16, dtype=jnp.int32)
    dump_vec = _H + sid * 16 + iota16

    pltpu.sync_copy(x_hbm.at[pl.ds(base, _TCH)], x_v)
    pltpu.sync_copy(z_hbm.at[pl.ds(base, _TCH)], z_v)
    pltpu.sync_copy(l_hbm.at[pl.ds(base, _TCH)], l_v)

    def _fill_ones(i, _):
        ones_v[pl.ds(i * 16, 16)] = jnp.full((16,), 1, jnp.int32)
        return 0

    lax.fori_loop(0, 128 // 16, _fill_ones, 0)

    def _fill_zero(i, _):
        zeros_v[pl.ds(i * 16, 16)] = jnp.full((16,), 0, jnp.int32)
        return 0

    lax.fori_loop(0, _ZS // 16, _fill_zero, 0)

    def _idx_row(j, _):
        def _idx_col(t, _):
            off = j * 128 + t * 16
            xv = x_v[pl.ds(off, 16)]
            zv = z_v[pl.ds(off, 16)]
            lv = l_v[pl.ds(off, 16)]
            idx = xv + zv * _S + lv * (_S * _S) - hbase
            valid = (idx >= 0) & (idx < _H)
            idx_v[j, pl.ds(t * 16, 16)] = jnp.where(valid, idx, dump_vec)
            return 0

        lax.fori_loop(0, 128 // 16, _idx_col, 0)
        return 0

    lax.fori_loop(0, _TROWS, _idx_row, 0)

    pltpu.sync_copy(zeros_v, shared_counts.at[pl.ds(sid * _ZS, _ZS)])
    plsc.subcore_barrier()

    def _scatter_chunk(j2, _):
        def _fire(t, _):
            pltpu.async_copy(
                ones_v, shared_counts.at[idx_v.at[j2 * 10 + t]], dma_sem,
                add=True)
            return 0

        def _drain(t, _):
            pltpu.make_async_copy(
                ones_v, shared_counts.at[idx_v.at[j2 * 10 + t]],
                dma_sem).wait()
            return 0

        lax.fori_loop(0, 10, _fire, 0)
        lax.fori_loop(0, 10, _drain, 0)
        return 0

    lax.fori_loop(0, _TROWS // 10, _scatter_chunk, 0)
    plsc.subcore_barrier()

    pltpu.sync_copy(shared_counts.at[pl.ds(sid * _HS, _HS)], counts_v)
    pltpu.sync_copy(counts_v, flags_hbm.at[pl.ds(cid * _H + sid * _HS, _HS)])

    ones16 = jnp.full((16,), 1, jnp.int32)
    zeros16 = jnp.full((16,), 0, jnp.int32)

    def _u_row(j, _):
        def _u_col(t, _):
            c = j * 8 + t
            u_v[j, pl.ds(t * 16, 16)] = jnp.where(
                counts_v[pl.ds(c * 16, 16)] == 0, ones16, zeros16)
            gidx_v[j, pl.ds(t * 16, 16)] = (_SP + sid * 128 + c) + iota16 * 0
            return 0

        lax.fori_loop(0, 128 // 16, _u_col, 0)
        return 0

    lax.fori_loop(0, 16, _u_row, 0)

    def _gscatter(j, _):
        pltpu.sync_copy(u_v.at[j], shared_counts.at[gidx_v.at[j]], add=True)
        return 0

    lax.fori_loop(0, 16, _gscatter, 0)
    plsc.subcore_barrier()
    pltpu.sync_copy(shared_counts.at[pl.ds(_SP + sid * 128, 128)], needy_v)
    pltpu.sync_copy(
        needy_v,
        needy_hbm.at[pl.ds(cid * (_H // _G) + sid * (_HS // _G), _HS // _G)])


_R = 2048
_NBLK = _M // _R
_NGB = _R // _G


def _tc_build_body(needy_ref, flags_ref, ltf_ref, map_any, out_ref,
                   rowbuf, sems):
    i = pl.program_id(0)
    feat = out_ref.shape[1]

    def _group_copy(blk, parity, g):
        return pltpu.make_async_copy(
            map_any.at[pl.ds(blk * _R + g * _G, _G), :],
            rowbuf.at[parity, pl.ds(g * _G, _G), :],
            sems.at[parity],
        )

    @pl.when(i == 0)
    def _():
        def gbody0(g, _):
            @pl.when(needy_ref[g] != 0)
            def _():
                _group_copy(0, 0, g).start()
            return 0

        lax.fori_loop(0, _NGB, gbody0, 0)

    def gbody(g, _):
        @pl.when(needy_ref[i * _NGB + g] != 0)
        def _():
            _group_copy(i, i % 2, g).wait()

        @pl.when((i + 1 < _NBLK) & (needy_ref[(i + 1) * _NGB + g] != 0))
        def _():
            _group_copy(i + 1, (i + 1) % 2, g).start()

        return 0

    lax.fori_loop(0, _NGB, gbody, 0, unroll=2)

    touched = flags_ref[...].reshape(_R, 1) > 0
    row = ltf_ref[...].reshape(1, feat)
    out_ref[...] = jnp.where(touched, row, rowbuf[i % 2])


def kernel(map_x, label_to_features, x_idx, z_idx, labels):
    feat = map_x.shape[1]
    flags, needy = _make_sc_flags()(x_idx, z_idx, labels)
    ltf3 = label_to_features.reshape(_CLASSES, 1, feat)
    grid_spec = pltpu.PrefetchScalarGridSpec(
        num_scalar_prefetch=1,
        grid=(_NBLK,),
        in_specs=[
            pl.BlockSpec((_R,), lambda i, needy: (i,)),
            pl.BlockSpec((1, 1, feat), lambda i, needy: (i // (4096 // _R), 0, 0)),
            pl.BlockSpec(memory_space=pl.ANY),
        ],
        out_specs=pl.BlockSpec((_R, feat), lambda i, needy: (i, 0)),
        scratch_shapes=[
            pltpu.VMEM((2, _R, feat), jnp.float32),
            pltpu.SemaphoreType.DMA((2,)),
        ],
    )
    out = pl.pallas_call(
        _tc_build_body,
        grid_spec=grid_spec,
        out_shape=jax.ShapeDtypeStruct((_M, feat), map_x.dtype),
    )(needy, flags, ltf3, map_x)
    return out

# --- scband reference (transcript-rebuilt; emitter-appended) ---
"""Pipeline reference for scband-graph-map-52845277610161 (READ-ONLY COPY).

The authoritative reference and input builder live on the scoring server;
editing this copy changes nothing except your own understanding.
"""

import jax, jax.numpy as jnp
import numpy as np

S = 64
CLASSES = 16
FEAT = 812  # 300 word embed + 512 rgb feature
M = S * S * CLASSES
N = 307200  # 640x480 depth pixels


def setup_inputs(seed: int = 0) -> dict:
    key = jax.random.key(seed)
    k1, k2, k3, k4, k5 = jax.random.split(key, 5)
    map_x = jax.random.normal(k1, (M, FEAT), dtype=jnp.float32)
    label_to_features = jax.random.normal(k2, (CLASSES, FEAT), dtype=jnp.float32)
    x_idx = jax.random.randint(k3, (N,), 0, S, dtype=jnp.int32)
    z_idx = jax.random.randint(k4, (N,), 0, S, dtype=jnp.int32)
    labels = jax.random.randint(k5, (N,), 0, CLASSES, dtype=jnp.int32)
    return {
        "map_x": map_x,
        "label_to_features": label_to_features,
        "x_idx": x_idx,
        "z_idx": z_idx,
        "labels": labels,
    }


def reference(map_x, label_to_features, x_idx, z_idx, labels):
    # put_label_to_map: flat node index = x + S*z + S*S*label
    # (same addressing as GraphMap.init_graph_map / put_label_to_map)
    idx = x_idx + S * z_idx + S * S * labels
    # gather per-label priori features (word+rgb), like label_to_features[label]
    vals = jnp.take(label_to_features, labels, axis=0)
    # scatter-overwrite into the graph map node feature store
    new_map = map_x.at[idx].set(vals)
    return new_map

if __name__ == "__main__":
    import jax
    _d = setup_inputs()
    print(jax.jit(kernel)(*tuple(_d.values())))

</pallas_src>

<mosaic_0001>
#map = affine_map<(d0, d1) -> (0)>
module attributes {stable_mosaic.version = 14 : i64} {
  func.func @_sc_flags_body(%arg0: i32, %arg1: i32, %arg2: memref<307200xi32, #tpu.memory_space<hbm>>, %arg3: memref<307200xi32, #tpu.memory_space<hbm>>, %arg4: memref<307200xi32, #tpu.memory_space<hbm>>, %arg5: memref<65536xi32, #tpu.memory_space<hbm>>, %arg6: memref<4224xi32, #tpu.memory_space<hbm>>, %arg7: memref<19200xi32, #tpu.memory_space<vmem>>, %arg8: memref<19200xi32, #tpu.memory_space<vmem>>, %arg9: memref<19200xi32, #tpu.memory_space<vmem>>, %arg10: memref<150x128xi32, #tpu.memory_space<vmem>>, %arg11: memref<128xi32, #tpu.memory_space<vmem>>, %arg12: memref<2320xi32, #tpu.memory_space<vmem>>, %arg13: memref<2048xi32, #tpu.memory_space<vmem>>, %arg14: memref<16x128xi32, #tpu.memory_space<vmem>>, %arg15: memref<16x128xi32, #tpu.memory_space<vmem>>, %arg16: memref<128xi32, #tpu.memory_space<vmem>>, %arg17: memref<37120xi32, #tpu.memory_space<vmem_shared>>, %arg18: memref<!tpu.dma_semaphore, #tpu.memory_space<semaphore_mem>>) attributes {dimension_semantics = [#tpu.dimension_semantics<core_parallel>, #tpu.dimension_semantics<subcore_parallel>], iteration_bounds = array<i64: 2, 16>, scalar_prefetch = 0 : i64, scratch_operands = 12 : i64, tpu.core_type = #tpu.core_type<sc_vector_subcore>, window_params = [{transform_indices = #map}, {transform_indices = #map}, {transform_indices = #map}, {transform_indices = #map}, {transform_indices = #map}]} {
    %mul3A = arith.constant 19200 : i32
    %mul3A_0 = arith.muli %arg1, %mul3A : i32
    %mul3A_1 = arith.constant 32768 : i32
    %mul3A_2 = arith.muli %arg0, %mul3A_1 : i32
    %iota3A = tpu.iota {dimensions = array<i32: 0>} : vector<16xi32>
    %mul3A_3 = arith.constant 16 : i32
    %mul3A_4 = arith.muli %arg1, %mul3A_3 : i32
    %add3A = arith.constant 32768 : i32
    %add3A_5 = arith.addi %add3A, %mul3A_4 : i32
    %add3A_6 = vector.broadcast %add3A_5 : i32 to vector<16xi32>
    %add3A_7 = arith.addi %add3A_6, %iota3A : vector<16xi32>
    "tpu.region"() ({
      %run_scoped3A = tpu.sem_alloc : memref<!tpu.dma_semaphore, #tpu.memory_space<semaphore_mem>>
      %dma_start3A = tpu.memref_slice %arg2[%mul3A_0] : memref<307200xi32, #tpu.memory_space<hbm>> -> memref<19200xi32, #tpu.memory_space<hbm>>
      %dma_start3A_72 = tpu.memref_slice %arg2[%mul3A_0] : memref<307200xi32, #tpu.memory_space<hbm>> -> memref<19200xi32, #tpu.memory_space<hbm>>
      tpu.enqueue_dma source(%dma_start3A_72 : memref<19200xi32, #tpu.memory_space<hbm>>) target(%arg7 : memref<19200xi32, #tpu.memory_space<vmem>>) target_semaphore(%run_scoped3A : memref<!tpu.dma_semaphore, #tpu.memory_space<semaphore_mem>>)
      %dma_wait3A = tpu.memref_slice %arg2[%mul3A_0] : memref<307200xi32, #tpu.memory_space<hbm>> -> memref<19200xi32, #tpu.memory_space<hbm>>
      %dma_wait3A_73 = tpu.memref_slice %arg2[%mul3A_0] : memref<307200xi32, #tpu.memory_space<hbm>> -> memref<19200xi32, #tpu.memory_space<hbm>>
      tpu.wait_dma2 semaphore(%run_scoped3A : memref<!tpu.dma_semaphore, #tpu.memory_space<semaphore_mem>>) src(%dma_wait3A_73 : memref<19200xi32, #tpu.memory_space<hbm>>) dst(%arg7 : memref<19200xi32, #tpu.memory_space<vmem>>)
      tpu.yield
    }) : () -> ()
    "tpu.region"() ({
      %run_scoped3A = tpu.sem_alloc : memref<!tpu.dma_semaphore, #tpu.memory_space<semaphore_mem>>
      %dma_start3A = tpu.memref_slice %arg3[%mul3A_0] : memref<307200xi32, #tpu.memory_space<hbm>> -> memref<19200xi32, #tpu.memory_space<hbm>>
      %dma_start3A_72 = tpu.memref_slice %arg3[%mul3A_0] : memref<307200xi32, #tpu.memory_space<hbm>> -> memref<19200xi32, #tpu.memory_space<hbm>>
      tpu.enqueue_dma source(%dma_start3A_72 : memref<19200xi32, #tpu.memory_space<hbm>>) target(%arg8 : memref<19200xi32, #tpu.memory_space<vmem>>) target_semaphore(%run_scoped3A : memref<!tpu.dma_semaphore, #tpu.memory_space<semaphore_mem>>)
      %dma_wait3A = tpu.memref_slice %arg3[%mul3A_0] : memref<307200xi32, #tpu.memory_space<hbm>> -> memref<19200xi32, #tpu.memory_space<hbm>>
      %dma_wait3A_73 = tpu.memref_slice %arg3[%mul3A_0] : memref<307200xi32, #tpu.memory_space<hbm>> -> memref<19200xi32, #tpu.memory_space<hbm>>
      tpu.wait_dma2 semaphore(%run_scoped3A : memref<!tpu.dma_semaphore, #tpu.memory_space<semaphore_mem>>) src(%dma_wait3A_73 : memref<19200xi32, #tpu.memory_space<hbm>>) dst(%arg8 : memref<19200xi32, #tpu.memory_space<vmem>>)
      tpu.yield
    }) : () -> ()
    "tpu.region"() ({
      %run_scoped3A = tpu.sem_alloc : memref<!tpu.dma_semaphore, #tpu.memory_space<semaphore_mem>>
      %dma_start3A = tpu.memref_slice %arg4[%mul3A_0] : memref<307200xi32, #tpu.memory_space<hbm>> -> memref<19200xi32, #tpu.memory_space<hbm>>
      %dma_start3A_72 = tpu.memref_slice %arg4[%mul3A_0] : memref<307200xi32, #tpu.memory_space<hbm>> -> memref<19200xi32, #tpu.memory_space<hbm>>
      tpu.enqueue_dma source(%dma_start3A_72 : memref<19200xi32, #tpu.memory_space<hbm>>) target(%arg9 : memref<19200xi32, #tpu.memory_space<vmem>>) target_semaphore(%run_scoped3A : memref<!tpu.dma_semaphore, #tpu.memory_space<semaphore_mem>>)
      %dma_wait3A = tpu.memref_slice %arg4[%mul3A_0] : memref<307200xi32, #tpu.memory_space<hbm>> -> memref<19200xi32, #tpu.memory_space<hbm>>
      %dma_wait3A_73 = tpu.memref_slice %arg4[%mul3A_0] : memref<307200xi32, #tpu.memory_space<hbm>> -> memref<19200xi32, #tpu.memory_space<hbm>>
      tpu.wait_dma2 semaphore(%run_scoped3A : memref<!tpu.dma_semaphore, #tpu.memory_space<semaphore_mem>>) src(%dma_wait3A_73 : memref<19200xi32, #tpu.memory_space<hbm>>) dst(%arg9 : memref<19200xi32, #tpu.memory_space<vmem>>)
      tpu.yield
    }) : () -> ()
    %scan3A = arith.constant 0 : i32
    %scan3A_8 = arith.constant 0 : i32
    %scan3A_9 = arith.constant 8 : i32
    %scan3A_10 = arith.addi %scan3A_8, %scan3A_9 : i32
    %scan3A_11 = arith.constant 1 : i32
    %scan3A_12 = scf.for %scan3A_72 = %scan3A_8 to %scan3A_10 step %scan3A_11 iter_args(%scan3A_73 = %scan3A) -> (i32)  : i32 {
      %broadcast_in_dim3A_74 = arith.constant 1 : i32
      %broadcast_in_dim3A_75 = vector.broadcast %broadcast_in_dim3A_74 : i32 to vector<16xi32>
      %mul3A_76 = arith.constant 16 : i32
      %mul3A_77 = arith.muli %scan3A_72, %mul3A_76 : i32
      %swap3A = arith.index_cast %mul3A_77 : i32 to index
      %swap3A_78 = tpu.vector_load %arg11[%swap3A] {strides = array<i32>} : memref<128xi32, #tpu.memory_space<vmem>>, vector<16xi32>,
      %swap3A_79 = vector.shape_cast %swap3A_78 : vector<16xi32> to vector<16xi32>
      %swap3A_80 = vector.shape_cast %broadcast_in_dim3A_75 : vector<16xi32> to vector<16xi32>
      tpu.vector_store %arg11[%swap3A], %swap3A_80 {strides = array<i32>} : memref<128xi32, #tpu.memory_space<vmem>>, vector<16xi32>,
      %scan3A_81 = arith.constant 0 : i32
      scf.yield %scan3A_81 : i32
    }
    %scan3A_13 = arith.constant 8 : i32
    %scan3A_14 = arith.constant 0 : i32
    %scan3A_15 = arith.constant 0 : i32
    %scan3A_16 = arith.constant 145 : i32
    %scan3A_17 = arith.addi %scan3A_15, %scan3A_16 : i32
    %scan3A_18 = arith.constant 1 : i32
    %scan3A_19 = scf.for %scan3A_72 = %scan3A_15 to %scan3A_17 step %scan3A_18 iter_args(%scan3A_73 = %scan3A_14) -> (i32)  : i32 {
      %broadcast_in_dim3A_74 = arith.constant 0 : i32
      %broadcast_in_dim3A_75 = vector.broadcast %broadcast_in_dim3A_74 : i32 to vector<16xi32>
      %mul3A_76 = arith.constant 16 : i32
      %mul3A_77 = arith.muli %scan3A_72, %mul3A_76 : i32
      %swap3A = arith.index_cast %mul3A_77 : i32 to index
      %swap3A_78 = tpu.vector_load %arg12[%swap3A] {strides = array<i32>} : memref<2320xi32, #tpu.memory_space<vmem>>, vector<16xi32>,
      %swap3A_79 = vector.shape_cast %swap3A_78 : vector<16xi32> to vector<16xi32>
      %swap3A_80 = vector.shape_cast %broadcast_in_dim3A_75 : vector<16xi32> to vector<16xi32>
      tpu.vector_store %arg12[%swap3A], %swap3A_80 {strides = array<i32>} : memref<2320xi32, #tpu.memory_space<vmem>>, vector<16xi32>,
      %scan3A_81 = arith.constant 0 : i32
      scf.yield %scan3A_81 : i32
    }
    %scan3A_20 = arith.constant 145 : i32
    %scan3A_21 = arith.constant 0 : i32
    %scan3A_22 = arith.constant 0 : i32
    %scan3A_23 = arith.constant 150 : i32
    %scan3A_24 = arith.addi %scan3A_22, %scan3A_23 : i32
    %scan3A_25 = arith.constant 1 : i32
    %scan3A_26 = scf.for %scan3A_72 = %scan3A_22 to %scan3A_24 step %scan3A_25 iter_args(%scan3A_73 = %scan3A_21) -> (i32)  : i32 {
      %scan3A_74 = arith.constant 0 : i32
      %scan3A_75 = arith.constant 0 : i32
      %scan3A_76 = arith.constant 8 : i32
      %scan3A_77 = arith.addi %scan3A_75, %scan3A_76 : i32
      %scan3A_78 = arith.constant 1 : i32
      %scan3A_79 = scf.for %scan3A_82 = %scan3A_75 to %scan3A_77 step %scan3A_78 iter_args(%scan3A_83 = %scan3A_74) -> (i32)  : i32 {
        %mul3A_84 = arith.constant 128 : i32
        %mul3A_85 = arith.muli %scan3A_72, %mul3A_84 : i32
        %mul3A_86 = arith.constant 16 : i32
        %mul3A_87 = arith.muli %scan3A_82, %mul3A_86 : i32
        %add3A_88 = arith.addi %mul3A_85, %mul3A_87 : i32
        %get3A = arith.index_cast %add3A_88 : i32 to index
        %get3A_89 = tpu.vector_load %arg7[%get3A] {strides = array<i32>} : memref<19200xi32, #tpu.memory_space<vmem>>, vector<16xi32>,
        %get3A_90 = vector.shape_cast %get3A_89 : vector<16xi32> to vector<16xi32>
        %get3A_91 = arith.index_cast %add3A_88 : i32 to index
        %get3A_92 = tpu.vector_load %arg8[%get3A_91] {strides = array<i32>} : memref<19200xi32, #tpu.memory_space<vmem>>, vector<16xi32>,
        %get3A_93 = vector.shape_cast %get3A_92 : vector<16xi32> to vector<16xi32>
        %get3A_94 = arith.index_cast %add3A_88 : i32 to index
        %get3A_95 = tpu.vector_load %arg9[%get3A_94] {strides = array<i32>} : memref<19200xi32, #tpu.memory_space<vmem>>, vector<16xi32>,
        %get3A_96 = vector.shape_cast %get3A_95 : vector<16xi32> to vector<16xi32>
        %mul3A_97 = arith.constant 64 : i32
        %mul3A_98 = vector.broadcast %mul3A_97 : i32 to vector<16xi32>
        %mul3A_99 = arith.muli %get3A_93, %mul3A_98 : vector<16xi32>
        %add3A_100 = arith.addi %get3A_90, %mul3A_99 : vector<16xi32>
        %mul3A_101 = arith.constant 4096 : i32
        %mul3A_102 = vector.broadcast %mul3A_101 : i32 to vector<16xi32>
        %mul3A_103 = arith.muli %get3A_96, %mul3A_102 : vector<16xi32>
        %add3A_104 = arith.addi %add3A_100, %mul3A_103 : vector<16xi32>
        %sub3A = vector.broadcast %mul3A_2 : i32 to vector<16xi32>
        %sub3A_105 = arith.subi %add3A_104, %sub3A : vector<16xi32>
        %ge3A = arith.constant 0 : i32
        %ge3A_106 = vector.broadcast %ge3A : i32 to vector<16xi32>
        %ge3A_107 = arith.cmpi sge, %sub3A_105, %ge3A_106 : vector<16xi32>
        %lt3A = arith.constant 32768 : i32
        %lt3A_108 = vector.broadcast %lt3A : i32 to vector<16xi32>
        %lt3A_109 = arith.cmpi slt, %sub3A_105, %lt3A_108 : vector<16xi32>
        %and3A = arith.andi %ge3A_107, %lt3A_109 : vector<16xi1>
        %select_n3A = arith.select %and3A, %sub3A_105, %add3A_7 : vector<16xi1>, vector<16xi32>
        %mul3A_110 = arith.constant 16 : i32
        %mul3A_111 = arith.muli %scan3A_82, %mul3A_110 : i32
        %swap3A = arith.index_cast %scan3A_72 : i32 to index
        %swap3A_112 = arith.index_cast %mul3A_111 : i32 to index
        %swap3A_113 = tpu.vector_load %arg10[%swap3A, %swap3A_112] {strides = array<i32>} : memref<150x128xi32, #tpu.memory_space<vmem>>, vector<1x16xi32>,
        %swap3A_114 = vector.shape_cast %swap3A_113 : vector<1x16xi32> to vector<16xi32>
        %swap3A_115 = vector.shape_cast %select_n3A : vector<16xi32> to vector<1x16xi32>
        tpu.vector_store %arg10[%swap3A, %swap3A_112], %swap3A_115 {strides = array<i32>} : memref<150x128xi32, #tpu.memory_space<vmem>>, vector<1x16xi32>,
        %scan3A_116 = arith.constant 0 : i32
        scf.yield %scan3A_116 : i32
      }
      %scan3A_80 = arith.constant 8 : i32
      %scan3A_81 = arith.constant 0 : i32
      scf.yield %scan3A_81 : i32
    }
    %scan3A_27 = arith.constant 150 : i32
    %mul3A_28 = arith.constant 2320 : i32
    %mul3A_29 = arith.muli %arg1, %mul3A_28 : i32
    "tpu.region"() ({
      %run_scoped3A = tpu.sem_alloc : memref<!tpu.dma_semaphore, #tpu.memory_space<semaphore_mem>>
      %dma_start3A = tpu.memref_slice %arg17[%mul3A_29] : memref<37120xi32, #tpu.memory_space<vmem_shared>> -> memref<2320xi32, #tpu.memory_space<vmem_shared>>
      %dma_start3A_72 = tpu.memref_slice %arg17[%mul3A_29] : memref<37120xi32, #tpu.memory_space<vmem_shared>> -> memref<2320xi32, #tpu.memory_space<vmem_shared>>
      tpu.enqueue_dma source(%arg12 : memref<2320xi32, #tpu.memory_space<vmem>>) target(%dma_start3A_72 : memref<2320xi32, #tpu.memory_space<vmem_shared>>) target_semaphore(%run_scoped3A : memref<!tpu.dma_semaphore, #tpu.memory_space<semaphore_mem>>)
      %dma_wait3A = tpu.memref_slice %arg17[%mul3A_29] : memref<37120xi32, #tpu.memory_space<vmem_shared>> -> memref<2320xi32, #tpu.memory_space<vmem_shared>>
      %dma_wait3A_73 = tpu.memref_slice %arg17[%mul3A_29] : memref<37120xi32, #tpu.memory_space<vmem_shared>> -> memref<2320xi32, #tpu.memory_space<vmem_shared>>
      tpu.wait_dma2 semaphore(%run_scoped3A : memref<!tpu.dma_semaphore, #tpu.memory_space<semaphore_mem>>) src(%arg12 : memref<2320xi32, #tpu.memory_space<vmem>>) dst(%dma_wait3A_73 : memref<2320xi32, #tpu.memory_space<vmem_shared>>)
      tpu.yield
    }) : () -> ()
    %barrier3A = arith.constant 0 : index
    tpu.barrier barrier_id(%barrier3A)
    %scan3A_30 = arith.constant 0 : i32
    %scan3A_31 = arith.constant 0 : i32
    %scan3A_32 = arith.constant 15 : i32
    %scan3A_33 = arith.addi %scan3A_31, %scan3A_32 : i32
    %scan3A_34 = arith.constant 1 : i32
    %scan3A_35 = scf.for %scan3A_72 = %scan3A_31 to %scan3A_33 step %scan3A_34 iter_args(%scan3A_73 = %scan3A_30) -> (i32)  : i32 {
      %scan3A_74 = arith.constant 0 : i32
      %scan3A_75 = arith.constant 0 : i32
      %scan3A_76 = arith.constant 10 : i32
      %scan3A_77 = arith.addi %scan3A_75, %scan3A_76 : i32
      %scan3A_78 = arith.constant 1 : i32
      %scan3A_79 = scf.for %scan3A_89 = %scan3A_75 to %scan3A_77 step %scan3A_78 iter_args(%scan3A_90 = %scan3A_74) -> (i32)  : i32 {
        %mul3A_91 = arith.constant 10 : i32
        %mul3A_92 = arith.muli %scan3A_72, %mul3A_91 : i32
        %add3A_93 = arith.addi %mul3A_92, %scan3A_89 : i32
        %dma_start3A = arith.constant 0 : i32
        %dma_start3A_94 = tpu.memref_slice %arg10[%add3A_93, %dma_start3A] : memref<150x128xi32, #tpu.memory_space<vmem>> -> memref<1x128xi32, #tpu.memory_space<vmem>>
        %dma_start3A_95 = tpu.memref_squeeze %dma_start3A_94 : memref<1x128xi32, #tpu.memory_space<vmem>> -> memref<128xi32, #tpu.memory_space<vmem>>
        %dma_start3A_96 = arith.constant 0 : i32
        %dma_start3A_97 = tpu.memref_slice %arg17[%dma_start3A_96] : memref<37120xi32, #tpu.memory_space<vmem_shared>> -> memref<37120xi32, #tpu.memory_space<vmem_shared>>
        tpu.enqueue_indirect_dma source(%arg11 : memref<128xi32, #tpu.memory_space<vmem>>) target(%dma_start3A_97 : memref<37120xi32, #tpu.memory_space<vmem_shared>>) offsets(%dma_start3A_95 : memref<128xi32, #tpu.memory_space<vmem>>) semaphore(%arg18 : memref<!tpu.dma_semaphore, #tpu.memory_space<semaphore_mem>>) {add = true}
        %scan3A_98 = arith.constant 0 : i32
        scf.yield %scan3A_98 : i32
      }
      %scan3A_80 = arith.constant 10 : i32
      %scan3A_81 = arith.constant 0 : i32
      %scan3A_82 = arith.constant 0 : i32
      %scan3A_83 = arith.constant 10 : i32
      %scan3A_84 = arith.addi %scan3A_82, %scan3A_83 : i32
      %scan3A_85 = arith.constant 1 : i32
      %scan3A_86 = scf.for %scan3A_89 = %scan3A_82 to %scan3A_84 step %scan3A_85 iter_args(%scan3A_90 = %scan3A_81) -> (i32)  : i32 {
        %mul3A_91 = arith.constant 10 : i32
        %mul3A_92 = arith.muli %scan3A_72, %mul3A_91 : i32
        %add3A_93 = arith.addi %mul3A_92, %scan3A_89 : i32
        %dma_wait3A = arith.constant 0 : i32
        %dma_wait3A_94 = tpu.memref_slice %arg10[%add3A_93, %dma_wait3A] : memref<150x128xi32, #tpu.memory_space<vmem>> -> memref<1x128xi32, #tpu.memory_space<vmem>>
        %dma_wait3A_95 = tpu.memref_squeeze %dma_wait3A_94 : memref<1x128xi32, #tpu.memory_space<vmem>> -> memref<128xi32, #tpu.memory_space<vmem>>
        %dma_wait3A_96 = arith.constant 0 : i32
        %dma_wait3A_97 = tpu.memref_slice %arg17[%dma_wait3A_96] : memref<37120xi32, #tpu.memory_space<vmem_shared>> -> memref<37120xi32, #tpu.memory_space<vmem_shared>>
        tpu.wait_indirect_dma semaphore(%arg18 : memref<!tpu.dma_semaphore, #tpu.memory_space<semaphore_mem>>) src(%arg11 : memref<128xi32, #tpu.memory_space<vmem>>) dst(%dma_wait3A_97 : memref<37120xi32, #tpu.memory_space<vmem_shared>>)
        %scan3A_98 = arith.constant 0 : i32
        scf.yield %scan3A_98 : i32
      }
      %scan3A_87 = arith.constant 10 : i32
      %scan3A_88 = arith.constant 0 : i32
      scf.yield %scan3A_88 : i32
    }
    %scan3A_36 = arith.constant 15 : i32
    %barrier3A_37 = arith.constant 0 : index
    tpu.barrier barrier_id(%barrier3A_37)
    %mul3A_38 = arith.constant 2048 : i32
    %mul3A_39 = arith.muli %arg1, %mul3A_38 : i32
    "tpu.region"() ({
      %run_scoped3A = tpu.sem_alloc : memref<!tpu.dma_semaphore, #tpu.memory_space<semaphore_mem>>
      %dma_start3A = tpu.memref_slice %arg17[%mul3A_39] : memref<37120xi32, #tpu.memory_space<vmem_shared>> -> memref<2048xi32, #tpu.memory_space<vmem_shared>>
      %dma_start3A_72 = tpu.memref_slice %arg17[%mul3A_39] : memref<37120xi32, #tpu.memory_space<vmem_shared>> -> memref<2048xi32, #tpu.memory_space<vmem_shared>>
      tpu.enqueue_dma source(%dma_start3A_72 : memref<2048xi32, #tpu.memory_space<vmem_shared>>) target(%arg13 : memref<2048xi32, #tpu.memory_space<vmem>>) target_semaphore(%run_scoped3A : memref<!tpu.dma_semaphore, #tpu.memory_space<semaphore_mem>>)
      %dma_wait3A = tpu.memref_slice %arg17[%mul3A_39] : memref<37120xi32, #tpu.memory_space<vmem_shared>> -> memref<2048xi32, #tpu.memory_space<vmem_shared>>
      %dma_wait3A_73 = tpu.memref_slice %arg17[%mul3A_39] : memref<37120xi32, #tpu.memory_space<vmem_shared>> -> memref<2048xi32, #tpu.memory_space<vmem_shared>>
      tpu.wait_dma2 semaphore(%run_scoped3A : memref<!tpu.dma_semaphore, #tpu.memory_space<semaphore_mem>>) src(%dma_wait3A_73 : memref<2048xi32, #tpu.memory_space<vmem_shared>>) dst(%arg13 : memref<2048xi32, #tpu.memory_space<vmem>>)
      tpu.yield
    }) : () -> ()
    %mul3A_40 = arith.constant 32768 : i32
    %mul3A_41 = arith.muli %arg0, %mul3A_40 : i32
    %mul3A_42 = arith.constant 2048 : i32
    %mul3A_43 = arith.muli %arg1, %mul3A_42 : i32
    %add3A_44 = arith.addi %mul3A_41, %mul3A_43 : i32
    "tpu.region"() ({
      %run_scoped3A = tpu.sem_alloc : memref<!tpu.dma_semaphore, #tpu.memory_space<semaphore_mem>>
      %dma_start3A = tpu.memref_slice %arg5[%add3A_44] : memref<65536xi32, #tpu.memory_space<hbm>> -> memref<2048xi32, #tpu.memory_space<hbm>>
      %dma_start3A_72 = tpu.memref_slice %arg5[%add3A_44] : memref<65536xi32, #tpu.memory_space<hbm>> -> memref<2048xi32, #tpu.memory_space<hbm>>
      tpu.enqueue_dma source(%arg13 : memref<2048xi32, #tpu.memory_space<vmem>>) target(%dma_start3A_72 : memref<2048xi32, #tpu.memory_space<hbm>>) target_semaphore(%run_scoped3A : memref<!tpu.dma_semaphore, #tpu.memory_space<semaphore_mem>>)
      %dma_wait3A = tpu.memref_slice %arg5[%add3A_44] : memref<65536xi32, #tpu.memory_space<hbm>> -> memref<2048xi32, #tpu.memory_space<hbm>>
      %dma_wait3A_73 = tpu.memref_slice %arg5[%add3A_44] : memref<65536xi32, #tpu.memory_space<hbm>> -> memref<2048xi32, #tpu.memory_space<hbm>>
      tpu.wait_dma2 semaphore(%run_scoped3A : memref<!tpu.dma_semaphore, #tpu.memory_space<semaphore_mem>>) src(%arg13 : memref<2048xi32, #tpu.memory_space<vmem>>) dst(%dma_wait3A_73 : memref<2048xi32, #tpu.memory_space<hbm>>)
      tpu.yield
    }) : () -> ()
    %broadcast_in_dim3A = arith.constant 1 : i32
    %broadcast_in_dim3A_45 = vector.broadcast %broadcast_in_dim3A : i32 to vector<16xi32>
    %broadcast_in_dim3A_46 = arith.constant 0 : i32
    %broadcast_in_dim3A_47 = vector.broadcast %broadcast_in_dim3A_46 : i32 to vector<16xi32>
    %scan3A_48 = arith.constant 0 : i32
    %scan3A_49 = arith.constant 0 : i32
    %scan3A_50 = arith.constant 16 : i32
    %scan3A_51 = arith.addi %scan3A_49, %scan3A_50 : i32
    %scan3A_52 = arith.constant 1 : i32
    %scan3A_53 = scf.for %scan3A_72 = %scan3A_49 to %scan3A_51 step %scan3A_52 iter_args(%scan3A_73 = %scan3A_48) -> (i32)  : i32 {
      %scan3A_74 = arith.constant 0 : i32
      %scan3A_75 = arith.constant 0 : i32
      %scan3A_76 = arith.constant 8 : i32
      %scan3A_77 = arith.addi %scan3A_75, %scan3A_76 : i32
      %scan3A_78 = arith.constant 1 : i32
      %scan3A_79 = scf.for %scan3A_82 = %scan3A_75 to %scan3A_77 step %scan3A_78 iter_args(%scan3A_83 = %scan3A_74) -> (i32)  : i32 {
        %mul3A_84 = arith.constant 8 : i32
        %mul3A_85 = arith.muli %scan3A_72, %mul3A_84 : i32
        %add3A_86 = arith.addi %mul3A_85, %scan3A_82 : i32
        %mul3A_87 = arith.constant 16 : i32
        %mul3A_88 = arith.muli %add3A_86, %mul3A_87 : i32
        %get3A = arith.index_cast %mul3A_88 : i32 to index
        %get3A_89 = tpu.vector_load %arg13[%get3A] {strides = array<i32>} : memref<2048xi32, #tpu.memory_space<vmem>>, vector<16xi32>,
        %get3A_90 = vector.shape_cast %get3A_89 : vector<16xi32> to vector<16xi32>
        %eq3A = arith.constant 0 : i32
        %eq3A_91 = vector.broadcast %eq3A : i32 to vector<16xi32>
        %eq3A_92 = arith.cmpi eq, %get3A_90, %eq3A_91 : vector<16xi32>
        %select_n3A = arith.select %eq3A_92, %broadcast_in_dim3A_45, %broadcast_in_dim3A_47 : vector<16xi1>, vector<16xi32>
        %mul3A_93 = arith.constant 16 : i32
        %mul3A_94 = arith.muli %scan3A_82, %mul3A_93 : i32
        %swap3A = arith.index_cast %scan3A_72 : i32 to index
        %swap3A_95 = arith.index_cast %mul3A_94 : i32 to index
        %swap3A_96 = tpu.vector_load %arg14[%swap3A, %swap3A_95] {strides = array<i32>} : memref<16x128xi32, #tpu.memory_space<vmem>>, vector<1x16xi32>,
        %swap3A_97 = vector.shape_cast %swap3A_96 : vector<1x16xi32> to vector<16xi32>
        %swap3A_98 = vector.shape_cast %select_n3A : vector<16xi32> to vector<1x16xi32>
        tpu.vector_store %arg14[%swap3A, %swap3A_95], %swap3A_98 {strides = array<i32>} : memref<16x128xi32, #tpu.memory_space<vmem>>, vector<1x16xi32>,
        %mul3A_99 = arith.constant 128 : i32
        %mul3A_100 = arith.muli %arg1, %mul3A_99 : i32
        %add3A_101 = arith.constant 33024 : i32
        %add3A_102 = arith.addi %add3A_101, %mul3A_100 : i32
        %add3A_103 = arith.addi %add3A_102, %add3A_86 : i32
        %mul3A_104 = arith.constant 0 : i32
        %mul3A_105 = vector.broadcast %mul3A_104 : i32 to vector<16xi32>
        %mul3A_106 = arith.muli %iota3A, %mul3A_105 : vector<16xi32>
        %add3A_107 = vector.broadcast %add3A_103 : i32 to vector<16xi32>
        %add3A_108 = arith.addi %add3A_107, %mul3A_106 : vector<16xi32>
        %mul3A_109 = arith.constant 16 : i32
        %mul3A_110 = arith.muli %scan3A_82, %mul3A_109 : i32
        %swap3A_111 = arith.index_cast %scan3A_72 : i32 to index
        %swap3A_112 = arith.index_cast %mul3A_110 : i32 to index
        %swap3A_113 = tpu.vector_load %arg15[%swap3A_111, %swap3A_112] {strides = array<i32>} : memref<16x128xi32, #tpu.memory_space<vmem>>, vector<1x16xi32>,
        %swap3A_114 = vector.shape_cast %swap3A_113 : vector<1x16xi32> to vector<16xi32>
        %swap3A_115 = vector.shape_cast %add3A_108 : vector<16xi32> to vector<1x16xi32>
        tpu.vector_store %arg15[%swap3A_111, %swap3A_112], %swap3A_115 {strides = array<i32>} : memref<16x128xi32, #tpu.memory_space<vmem>>, vector<1x16xi32>,
        %scan3A_116 = arith.constant 0 : i32
        scf.yield %scan3A_116 : i32
      }
      %scan3A_80 = arith.constant 8 : i32
      %scan3A_81 = arith.constant 0 : i32
      scf.yield %scan3A_81 : i32
    }
    %scan3A_54 = arith.constant 16 : i32
    %scan3A_55 = arith.constant 0 : i32
    %scan3A_56 = arith.constant 0 : i32
    %scan3A_57 = arith.constant 16 : i32
    %scan3A_58 = arith.addi %scan3A_56, %scan3A_57 : i32
    %scan3A_59 = arith.constant 1 : i32
    %scan3A_60 = scf.for %scan3A_72 = %scan3A_56 to %scan3A_58 step %scan3A_59 iter_args(%scan3A_73 = %scan3A_55) -> (i32)  : i32 {
      "tpu.region"() ({
        %run_scoped3A = tpu.sem_alloc : memref<!tpu.dma_semaphore, #tpu.memory_space<semaphore_mem>>
        %dma_start3A = arith.constant 0 : i32
        %dma_start3A_75 = tpu.memref_slice %arg14[%scan3A_72, %dma_start3A] : memref<16x128xi32, #tpu.memory_space<vmem>> -> memref<1x128xi32, #tpu.memory_space<vmem>>
        %dma_start3A_76 = tpu.memref_squeeze %dma_start3A_75 : memref<1x128xi32, #tpu.memory_space<vmem>> -> memref<128xi32, #tpu.memory_space<vmem>>
        %dma_start3A_77 = arith.constant 0 : i32
        %dma_start3A_78 = tpu.memref_slice %arg15[%scan3A_72, %dma_start3A_77] : memref<16x128xi32, #tpu.memory_space<vmem>> -> memref<1x128xi32, #tpu.memory_space<vmem>>
        %dma_start3A_79 = tpu.memref_squeeze %dma_start3A_78 : memref<1x128xi32, #tpu.memory_space<vmem>> -> memref<128xi32, #tpu.memory_space<vmem>>
        %dma_start3A_80 = arith.constant 0 : i32
        %dma_start3A_81 = tpu.memref_slice %arg17[%dma_start3A_80] : memref<37120xi32, #tpu.memory_space<vmem_shared>> -> memref<37120xi32, #tpu.memory_space<vmem_shared>>
        tpu.enqueue_indirect_dma source(%dma_start3A_76 : memref<128xi32, #tpu.memory_space<vmem>>) target(%dma_start3A_81 : memref<37120xi32, #tpu.memory_space<vmem_shared>>) offsets(%dma_start3A_79 : memref<128xi32, #tpu.memory_space<vmem>>) semaphore(%run_scoped3A : memref<!tpu.dma_semaphore, #tpu.memory_space<semaphore_mem>>) {add = true}
        %dma_wait3A = arith.constant 0 : i32
        %dma_wait3A_82 = tpu.memref_slice %arg14[%scan3A_72, %dma_wait3A] : memref<16x128xi32, #tpu.memory_space<vmem>> -> memref<1x128xi32, #tpu.memory_space<vmem>>
        %dma_wait3A_83 = tpu.memref_squeeze %dma_wait3A_82 : memref<1x128xi32, #tpu.memory_space<vmem>> -> memref<128xi32, #tpu.memory_space<vmem>>
        %dma_wait3A_84 = arith.constant 0 : i32
        %dma_wait3A_85 = tpu.memref_slice %arg15[%scan3A_72, %dma_wait3A_84] : memref<16x128xi32, #tpu.memory_space<vmem>> -> memref<1x128xi32, #tpu.memory_space<vmem>>
        %dma_wait3A_86 = tpu.memref_squeeze %dma_wait3A_85 : memref<1x128xi32, #tpu.memory_space<vmem>> -> memref<128xi32, #tpu.memory_space<vmem>>
        %dma_wait3A_87 = arith.constant 0 : i32
        %dma_wait3A_88 = tpu.memref_slice %arg17[%dma_wait3A_87] : memref<37120xi32, #tpu.memory_space<vmem_shared>> -> memref<37120xi32, #tpu.memory_space<vmem_shared>>
        tpu.wait_indirect_dma semaphore(%run_scoped3A : memref<!tpu.dma_semaphore, #tpu.memory_space<semaphore_mem>>) src(%dma_wait3A_83 : memref<128xi32, #tpu.memory_space<vmem>>) dst(%dma_wait3A_88 : memref<37120xi32, #tpu.memory_space<vmem_shared>>)
        tpu.yield
      }) : () -> ()
      %scan3A_74 = arith.constant 0 : i32
      scf.yield %scan3A_74 : i32
    }
    %scan3A_61 = arith.constant 16 : i32
    %barrier3A_62 = arith.constant 0 : index
    tpu.barrier barrier_id(%barrier3A_62)
    %mul3A_63 = arith.constant 128 : i32
    %mul3A_64 = arith.muli %arg1, %mul3A_63 : i32
    %add3A_65 = arith.constant 33024 : i32
    %add3A_66 = arith.addi %add3A_65, %mul3A_64 : i32
    "tpu.region"() ({
      %run_scoped3A = tpu.sem_alloc : memref<!tpu.dma_semaphore, #tpu.memory_space<semaphore_mem>>
      %dma_start3A = tpu.memref_slice %arg17[%add3A_66] : memref<37120xi32, #tpu.memory_space<vmem_shared>> -> memref<128xi32, #tpu.memory_space<vmem_shared>>
      %dma_start3A_72 = tpu.memref_slice %arg17[%add3A_66] : memref<37120xi32, #tpu.memory_space<vmem_shared>> -> memref<128xi32, #tpu.memory_space<vmem_shared>>
      tpu.enqueue_dma source(%dma_start3A_72 : memref<128xi32, #tpu.memory_space<vmem_shared>>) target(%arg16 : memref<128xi32, #tpu.memory_space<vmem>>) target_semaphore(%run_scoped3A : memref<!tpu.dma_semaphore, #tpu.memory_space<semaphore_mem>>)
      %dma_wait3A = tpu.memref_slice %arg17[%add3A_66] : memref<37120xi32, #tpu.memory_space<vmem_shared>> -> memref<128xi32, #tpu.memory_space<vmem_shared>>
      %dma_wait3A_73 = tpu.memref_slice %arg17[%add3A_66] : memref<37120xi32, #tpu.memory_space<vmem_shared>> -> memref<128xi32, #tpu.memory_space<vmem_shared>>
      tpu.wait_dma2 semaphore(%run_scoped3A : memref<!tpu.dma_semaphore, #tpu.memory_space<semaphore_mem>>) src(%dma_wait3A_73 : memref<128xi32, #tpu.memory_space<vmem_shared>>) dst(%arg16 : memref<128xi32, #tpu.memory_space<vmem>>)
      tpu.yield
    }) : () -> ()
    %mul3A_67 = arith.constant 2048 : i32
    %mul3A_68 = arith.muli %arg0, %mul3A_67 : i32
    %mul3A_69 = arith.constant 128 : i32
    %mul3A_70 = arith.muli %arg1, %mul3A_69 : i32
    %add3A_71 = arith.addi %mul3A_68, %mul3A_70 : i32
    "tpu.region"() ({
      %run_scoped3A = tpu.sem_alloc : memref<!tpu.dma_semaphore, #tpu.memory_space<semaphore_mem>>
      %dma_start3A = tpu.memref_slice %arg6[%add3A_71] : memref<4224xi32, #tpu.memory_space<hbm>> -> memref<128xi32, #tpu.memory_space<hbm>>
      %dma_start3A_72 = tpu.memref_slice %arg6[%add3A_71] : memref<4224xi32, #tpu.memory_space<hbm>> -> memref<128xi32, #tpu.memory_space<hbm>>
      tpu.enqueue_dma source(%arg16 : memref<128xi32, #tpu.memory_space<vmem>>) target(%dma_start3A_72 : memref<128xi32, #tpu.memory_space<hbm>>) target_semaphore(%run_scoped3A : memref<!tpu.dma_semaphore, #tpu.memory_space<semaphore_mem>>)
      %dma_wait3A = tpu.memref_slice %arg6[%add3A_71] : memref<4224xi32, #tpu.memory_space<hbm>> -> memref<128xi32, #tpu.memory_space<hbm>>
      %dma_wait3A_73 = tpu.memref_slice %arg6[%add3A_71] : memref<4224xi32, #tpu.memory_space<hbm>> -> memref<128xi32, #tpu.memory_space<hbm>>
      tpu.wait_dma2 semaphore(%run_scoped3A : memref<!tpu.dma_semaphore, #tpu.memory_space<semaphore_mem>>) src(%arg16 : memref<128xi32, #tpu.memory_space<vmem>>) dst(%dma_wait3A_73 : memref<128xi32, #tpu.memory_space<hbm>>)
      tpu.yield
    }) : () -> ()
    return
  }
}

module attributes {stable_mosaic.version = 14 : i64} {
  func.func @_tc_build_body(%arg0: i32, %arg1: memref<4224xi32, #tpu.memory_space<smem>>, %arg2: memref<2048xi32, #tpu.memory_space<vmem>>, %arg3: memref<1x1x812xf32, #tpu.memory_space<vmem>>, %arg4: memref<65536x812xf32, #tpu.memory_space<any>>, %arg5: memref<2048x812xf32, #tpu.memory_space<vmem>>, %arg6: memref<2x2048x812xf32, #tpu.memory_space<vmem>>, %arg7: memref<2x!tpu.dma_semaphore, #tpu.memory_space<semaphore_mem>>) attributes {dimension_semantics = [#tpu.dimension_semantics<arbitrary>], iteration_bounds = array<i64: 32>, scalar_prefetch = 1 : i64, scratch_operands = 2 : i64, tpu.core_type = #tpu.core_type<tc>, window_params = [{transform_indices = @transform_0, window_bounds = array<i64: 2048>}, {transform_indices = @transform_1, window_bounds = array<i64: 1, 1, 812>}, {}, {transform_indices = @transform_3, window_bounds = array<i64: 2048, 812>}]} {
    %eq3A = arith.constant 0 : i32
    %eq3A_0 = arith.cmpi eq, %arg0, %eq3A : i32
    %convert_element_type3A = arith.extui %eq3A_0 : i1 to i32
    %cond3A = arith.constant 0 : i32
    %cond3A_1 = arith.cmpi ne, %convert_element_type3A, %cond3A : i32
    scf.if %cond3A_1 {
      %scan3A_34 = arith.constant 0 : i32
      %scan3A_35 = arith.constant 128 : i32
      %scan3A_36 = arith.addi %scan3A_34, %scan3A_35 : i32
      %scan3A_37 = arith.constant 1 : i32
      scf.for %scan3A_39 = %scan3A_34 to %scan3A_36 step %scan3A_37  : i32 {
        %get3A_40 = arith.index_cast %scan3A_39 : i32 to index
        %get3A_41 = memref.load %arg1[%get3A_40] : memref<4224xi32, #tpu.memory_space<smem>>
        %ne3A_42 = arith.constant 0 : i32
        %ne3A_43 = arith.cmpi ne, %get3A_41, %ne3A_42 : i32
        %convert_element_type3A_44 = arith.extui %ne3A_43 : i1 to i32
        %cond3A_45 = arith.constant 0 : i32
        %cond3A_46 = arith.cmpi ne, %convert_element_type3A_44, %cond3A_45 : i32
        scf.if %cond3A_46 {
          %mul3A = arith.constant 16 : i32
          %mul3A_47 = arith.muli %scan3A_39, %mul3A : i32
          %add3A_48 = arith.constant 0 : i32
          %add3A_49 = arith.addi %add3A_48, %mul3A_47 : i32
          %mul3A_50 = arith.constant 16 : i32
          %mul3A_51 = arith.muli %scan3A_39, %mul3A_50 : i32
          %dma_start3A = arith.constant 0 : i32
          %dma_start3A_52 = arith.constant 0 : i32
          %dma_start3A_53 = tpu.memref_slice %arg7[%dma_start3A_52] : memref<2x!tpu.dma_semaphore, #tpu.memory_space<semaphore_mem>> -> memref<1x!tpu.dma_semaphore, #tpu.memory_space<semaphore_mem>>
          %dma_start3A_54 = tpu.memref_squeeze %dma_start3A_53 : memref<1x!tpu.dma_semaphore, #tpu.memory_space<semaphore_mem>> -> memref<!tpu.dma_semaphore, #tpu.memory_space<semaphore_mem>>
          %dma_start3A_55 = arith.constant 0 : i32
          %dma_start3A_56 = tpu.memref_slice %arg6[%dma_start3A, %mul3A_51, %dma_start3A_55] : memref<2x2048x812xf32, #tpu.memory_space<vmem>> -> memref<1x16x812xf32, #tpu.memory_space<vmem>>
          %dma_start3A_57 = tpu.memref_squeeze %dma_start3A_56 : memref<1x16x812xf32, #tpu.memory_space<vmem>> -> memref<16x812xf32, #tpu.memory_space<vmem>>
          %dma_start3A_58 = arith.constant 0 : i32
          %dma_start3A_59 = tpu.memref_slice %arg4[%add3A_49, %dma_start3A_58] : memref<65536x812xf32, #tpu.memory_space<any>> -> memref<16x812xf32, #tpu.memory_space<any>>
          tpu.enqueue_dma source(%dma_start3A_59 : memref<16x812xf32, #tpu.memory_space<any>>) target(%dma_start3A_57 : memref<16x812xf32, #tpu.memory_space<vmem>>) target_semaphore(%dma_start3A_54 : memref<!tpu.dma_semaphore, #tpu.memory_space<semaphore_mem>>)
        } else {
        }
      }
      %scan3A_38 = arith.constant 128 : i32
    } else {
    }
    %scan3A = arith.constant 0 : i32
    %scan3A_2 = arith.constant 128 : i32
    %scan3A_3 = arith.addi %scan3A, %scan3A_2 : i32
    %scan3A_4 = arith.constant 2 : i32
    scf.for %scan3A_34 = %scan3A to %scan3A_3 step %scan3A_4  : i32 {
      %mul3A = arith.constant 128 : i32
      %mul3A_35 = arith.muli %arg0, %mul3A : i32
      %add3A_36 = arith.addi %mul3A_35, %scan3A_34 : i32
      %get3A_37 = arith.index_cast %add3A_36 : i32 to index
      %get3A_38 = memref.load %arg1[%get3A_37] : memref<4224xi32, #tpu.memory_space<smem>>
      %ne3A_39 = arith.constant 0 : i32
      %ne3A_40 = arith.cmpi ne, %get3A_38, %ne3A_39 : i32
      %convert_element_type3A_41 = arith.extui %ne3A_40 : i1 to i32
      %cond3A_42 = arith.constant 0 : i32
      %cond3A_43 = arith.cmpi ne, %convert_element_type3A_41, %cond3A_42 : i32
      scf.if %cond3A_43 {
        %jit3A_90 = arith.constant 2 : i32
        %eq3A_91 = arith.constant 0 : i32
        %eq3A_92 = arith.cmpi eq, %jit3A_90, %eq3A_91 : i32
        %jit3A_93 = arith.constant 1 : i32
        %select_n3A_94 = arith.select %eq3A_92, %jit3A_93, %jit3A_90 : i32
        %rem3A_95 = arith.remsi %arg0, %select_n3A_94 : i32
        %ne3A_96 = arith.constant 0 : i32
        %ne3A_97 = arith.cmpi ne, %rem3A_95, %ne3A_96 : i32
        %lt3A_98 = arith.constant 0 : i32
        %lt3A_99 = arith.cmpi slt, %rem3A_95, %lt3A_98 : i32
        %lt3A_100 = arith.constant 0 : i32
        %lt3A_101 = arith.cmpi slt, %select_n3A_94, %lt3A_100 : i32
        %ne3A_102 = arith.xori %lt3A_99, %lt3A_101 : i1
        %and3A_103 = arith.andi %ne3A_102, %ne3A_97 : i1
        %add3A_104 = arith.addi %rem3A_95, %select_n3A_94 : i32
        %select_n3A_105 = arith.select %and3A_103, %add3A_104, %rem3A_95 : i32
        %mul3A_106 = arith.constant 2048 : i32
        %mul3A_107 = arith.muli %arg0, %mul3A_106 : i32
        %mul3A_108 = arith.constant 16 : i32
        %mul3A_109 = arith.muli %scan3A_34, %mul3A_108 : i32
        %add3A_110 = arith.addi %mul3A_107, %mul3A_109 : i32
        %mul3A_111 = arith.constant 16 : i32
        %mul3A_112 = arith.muli %scan3A_34, %mul3A_111 : i32
        %dma_wait3A = tpu.memref_slice %arg7[%select_n3A_105] : memref<2x!tpu.dma_semaphore, #tpu.memory_space<semaphore_mem>> -> memref<1x!tpu.dma_semaphore, #tpu.memory_space<semaphore_mem>>
        %dma_wait3A_113 = tpu.memref_squeeze %dma_wait3A : memref<1x!tpu.dma_semaphore, #tpu.memory_space<semaphore_mem>> -> memref<!tpu.dma_semaphore, #tpu.memory_space<semaphore_mem>>
        %dma_wait3A_114 = arith.constant 0 : i32
        %dma_wait3A_115 = tpu.memref_slice %arg6[%select_n3A_105, %mul3A_112, %dma_wait3A_114] : memref<2x2048x812xf32, #tpu.memory_space<vmem>> -> memref<1x16x812xf32, #tpu.memory_space<vmem>>
        %dma_wait3A_116 = tpu.memref_squeeze %dma_wait3A_115 : memref<1x16x812xf32, #tpu.memory_space<vmem>> -> memref<16x812xf32, #tpu.memory_space<vmem>>
        %dma_wait3A_117 = arith.constant 0 : i32
        %dma_wait3A_118 = tpu.memref_slice %arg4[%add3A_110, %dma_wait3A_117] : memref<65536x812xf32, #tpu.memory_space<any>> -> memref<16x812xf32, #tpu.memory_space<any>>
        tpu.wait_dma2 semaphore(%dma_wait3A_113 : memref<!tpu.dma_semaphore, #tpu.memory_space<semaphore_mem>>) src(%dma_wait3A_118 : memref<16x812xf32, #tpu.memory_space<any>>) dst(%dma_wait3A_116 : memref<16x812xf32, #tpu.memory_space<vmem>>)
      } else {
      }
      %add3A_44 = arith.constant 1 : i32
      %add3A_45 = arith.addi %arg0, %add3A_44 : i32
      %lt3A_46 = arith.constant 32 : i32
      %lt3A_47 = arith.cmpi slt, %add3A_45, %lt3A_46 : i32
      %add3A_48 = arith.constant 1 : i32
      %add3A_49 = arith.addi %arg0, %add3A_48 : i32
      %mul3A_50 = arith.constant 128 : i32
      %mul3A_51 = arith.muli %add3A_49, %mul3A_50 : i32
      %add3A_52 = arith.addi %mul3A_51, %scan3A_34 : i32
      %get3A_53 = arith.index_cast %add3A_52 : i32 to index
      %get3A_54 = memref.load %arg1[%get3A_53] : memref<4224xi32, #tpu.memory_space<smem>>
      %ne3A_55 = arith.constant 0 : i32
      %ne3A_56 = arith.cmpi ne, %get3A_54, %ne3A_55 : i32
      %and3A_57 = arith.andi %lt3A_47, %ne3A_56 : i1
      %convert_element_type3A_58 = arith.extui %and3A_57 : i1 to i32
      %cond3A_59 = arith.constant 0 : i32
      %cond3A_60 = arith.cmpi ne, %convert_element_type3A_58, %cond3A_59 : i32
      scf.if %cond3A_60 {
        %add3A_90 = arith.constant 1 : i32
        %add3A_91 = arith.addi %arg0, %add3A_90 : i32
        %add3A_92 = arith.constant 1 : i32
        %add3A_93 = arith.addi %arg0, %add3A_92 : i32
        %jit3A_94 = arith.constant 2 : i32
        %eq3A_95 = arith.constant 0 : i32
        %eq3A_96 = arith.cmpi eq, %jit3A_94, %eq3A_95 : i32
        %jit3A_97 = arith.constant 1 : i32
        %select_n3A_98 = arith.select %eq3A_96, %jit3A_97, %jit3A_94 : i32
        %rem3A_99 = arith.remsi %add3A_93, %select_n3A_98 : i32
        %ne3A_100 = arith.constant 0 : i32
        %ne3A_101 = arith.cmpi ne, %rem3A_99, %ne3A_100 : i32
        %lt3A_102 = arith.constant 0 : i32
        %lt3A_103 = arith.cmpi slt, %rem3A_99, %lt3A_102 : i32
        %lt3A_104 = arith.constant 0 : i32
        %lt3A_105 = arith.cmpi slt, %select_n3A_98, %lt3A_104 : i32
        %ne3A_106 = arith.xori %lt3A_103, %lt3A_105 : i1
        %and3A_107 = arith.andi %ne3A_106, %ne3A_101 : i1
        %add3A_108 = arith.addi %rem3A_99, %select_n3A_98 : i32
        %select_n3A_109 = arith.select %and3A_107, %add3A_108, %rem3A_99 : i32
        %mul3A_110 = arith.constant 2048 : i32
        %mul3A_111 = arith.muli %add3A_91, %mul3A_110 : i32
        %mul3A_112 = arith.constant 16 : i32
        %mul3A_113 = arith.muli %scan3A_34, %mul3A_112 : i32
        %add3A_114 = arith.addi %mul3A_111, %mul3A_113 : i32
        %mul3A_115 = arith.constant 16 : i32
        %mul3A_116 = arith.muli %scan3A_34, %mul3A_115 : i32
        %dma_start3A = tpu.memref_slice %arg7[%select_n3A_109] : memref<2x!tpu.dma_semaphore, #tpu.memory_space<semaphore_mem>> -> memref<1x!tpu.dma_semaphore, #tpu.memory_space<semaphore_mem>>
        %dma_start3A_117 = tpu.memref_squeeze %dma_start3A : memref<1x!tpu.dma_semaphore, #tpu.memory_space<semaphore_mem>> -> memref<!tpu.dma_semaphore, #tpu.memory_space<semaphore_mem>>
        %dma_start3A_118 = arith.constant 0 : i32
        %dma_start3A_119 = tpu.memref_slice %arg6[%select_n3A_109, %mul3A_116, %dma_start3A_118] : memref<2x2048x812xf32, #tpu.memory_space<vmem>> -> memref<1x16x812xf32, #tpu.memory_space<vmem>>
        %dma_start3A_120 = tpu.memref_squeeze %dma_start3A_119 : memref<1x16x812xf32, #tpu.memory_space<vmem>> -> memref<16x812xf32, #tpu.memory_space<vmem>>
        %dma_start3A_121 = arith.constant 0 : i32
        %dma_start3A_122 = tpu.memref_slice %arg4[%add3A_114, %dma_start3A_121] : memref<65536x812xf32, #tpu.memory_space<any>> -> memref<16x812xf32, #tpu.memory_space<any>>
        tpu.enqueue_dma source(%dma_start3A_122 : memref<16x812xf32, #tpu.memory_space<any>>) target(%dma_start3A_120 : memref<16x812xf32, #tpu.memory_space<vmem>>) target_semaphore(%dma_start3A_117 : memref<!tpu.dma_semaphore, #tpu.memory_space<semaphore_mem>>)
      } else {
      }
      %scan3A_61 = arith.constant 1 : i32
      %scan3A_62 = arith.addi %scan3A_34, %scan3A_61 : i32
      %mul3A_63 = arith.constant 128 : i32
      %mul3A_64 = arith.muli %arg0, %mul3A_63 : i32
      %add3A_65 = arith.addi %mul3A_64, %scan3A_62 : i32
      %get3A_66 = arith.index_cast %add3A_65 : i32 to index
      %get3A_67 = memref.load %arg1[%get3A_66] : memref<4224xi32, #tpu.memory_space<smem>>
      %ne3A_68 = arith.constant 0 : i32
      %ne3A_69 = arith.cmpi ne, %get3A_67, %ne3A_68 : i32
      %convert_element_type3A_70 = arith.extui %ne3A_69 : i1 to i32
      %cond3A_71 = arith.constant 0 : i32
      %cond3A_72 = arith.cmpi ne, %convert_element_type3A_70, %cond3A_71 : i32
      scf.if %cond3A_72 {
        %jit3A_90 = arith.constant 2 : i32
        %eq3A_91 = arith.constant 0 : i32
        %eq3A_92 = arith.cmpi eq, %jit3A_90, %eq3A_91 : i32
        %jit3A_93 = arith.constant 1 : i32
        %select_n3A_94 = arith.select %eq3A_92, %jit3A_93, %jit3A_90 : i32
        %rem3A_95 = arith.remsi %arg0, %select_n3A_94 : i32
        %ne3A_96 = arith.constant 0 : i32
        %ne3A_97 = arith.cmpi ne, %rem3A_95, %ne3A_96 : i32
        %lt3A_98 = arith.constant 0 : i32
        %lt3A_99 = arith.cmpi slt, %rem3A_95, %lt3A_98 : i32
        %lt3A_100 = arith.constant 0 : i32
        %lt3A_101 = arith.cmpi slt, %select_n3A_94, %lt3A_100 : i32
        %ne3A_102 = arith.xori %lt3A_99, %lt3A_101 : i1
        %and3A_103 = arith.andi %ne3A_102, %ne3A_97 : i1
        %add3A_104 = arith.addi %rem3A_95, %select_n3A_94 : i32
        %select_n3A_105 = arith.select %and3A_103, %add3A_104, %rem3A_95 : i32
        %mul3A_106 = arith.constant 2048 : i32
        %mul3A_107 = arith.muli %arg0, %mul3A_106 : i32
        %mul3A_108 = arith.constant 16 : i32
        %mul3A_109 = arith.muli %scan3A_62, %mul3A_108 : i32
        %add3A_110 = arith.addi %mul3A_107, %mul3A_109 : i32
        %mul3A_111 = arith.constant 16 : i32
        %mul3A_112 = arith.muli %scan3A_62, %mul3A_111 : i32
        %dma_wait3A = tpu.memref_slice %arg7[%select_n3A_105] : memref<2x!tpu.dma_semaphore, #tpu.memory_space<semaphore_mem>> -> memref<1x!tpu.dma_semaphore, #tpu.memory_space<semaphore_mem>>
        %dma_wait3A_113 = tpu.memref_squeeze %dma_wait3A : memref<1x!tpu.dma_semaphore, #tpu.memory_space<semaphore_mem>> -> memref<!tpu.dma_semaphore, #tpu.memory_space<semaphore_mem>>
        %dma_wait3A_114 = arith.constant 0 : i32
        %dma_wait3A_115 = tpu.memref_slice %arg6[%select_n3A_105, %mul3A_112, %dma_wait3A_114] : memref<2x2048x812xf32, #tpu.memory_space<vmem>> -> memref<1x16x812xf32, #tpu.memory_space<vmem>>
        %dma_wait3A_116 = tpu.memref_squeeze %dma_wait3A_115 : memref<1x16x812xf32, #tpu.memory_space<vmem>> -> memref<16x812xf32, #tpu.memory_space<vmem>>
        %dma_wait3A_117 = arith.constant 0 : i32
        %dma_wait3A_118 = tpu.memref_slice %arg4[%add3A_110, %dma_wait3A_117] : memref<65536x812xf32, #tpu.memory_space<any>> -> memref<16x812xf32, #tpu.memory_space<any>>
        tpu.wait_dma2 semaphore(%dma_wait3A_113 : memref<!tpu.dma_semaphore, #tpu.memory_space<semaphore_mem>>) src(%dma_wait3A_118 : memref<16x812xf32, #tpu.memory_space<any>>) dst(%dma_wait3A_116 : memref<16x812xf32, #tpu.memory_space<vmem>>)
      } else {
      }
      %add3A_73 = arith.constant 1 : i32
      %add3A_74 = arith.addi %arg0, %add3A_73 : i32
      %lt3A_75 = arith.constant 32 : i32
      %lt3A_76 = arith.cmpi slt, %add3A_74, %lt3A_75 : i32
      %add3A_77 = arith.constant 1 : i32
      %add3A_78 = arith.addi %arg0, %add3A_77 : i32
      %mul3A_79 = arith.constant 128 : i32
      %mul3A_80 = arith.muli %add3A_78, %mul3A_79 : i32
      %add3A_81 = arith.addi %mul3A_80, %scan3A_62 : i32
      %get3A_82 = arith.index_cast %add3A_81 : i32 to index
      %get3A_83 = memref.load %arg1[%get3A_82] : memref<4224xi32, #tpu.memory_space<smem>>
      %ne3A_84 = arith.constant 0 : i32
      %ne3A_85 = arith.cmpi ne, %get3A_83, %ne3A_84 : i32
      %and3A_86 = arith.andi %lt3A_76, %ne3A_85 : i1
      %convert_element_type3A_87 = arith.extui %and3A_86 : i1 to i32
      %cond3A_88 = arith.constant 0 : i32
      %cond3A_89 = arith.cmpi ne, %convert_element_type3A_87, %cond3A_88 : i32
      scf.if %cond3A_89 {
        %add3A_90 = arith.constant 1 : i32
        %add3A_91 = arith.addi %arg0, %add3A_90 : i32
        %add3A_92 = arith.constant 1 : i32
        %add3A_93 = arith.addi %arg0, %add3A_92 : i32
        %jit3A_94 = arith.constant 2 : i32
        %eq3A_95 = arith.constant 0 : i32
        %eq3A_96 = arith.cmpi eq, %jit3A_94, %eq3A_95 : i32
        %jit3A_97 = arith.constant 1 : i32
        %select_n3A_98 = arith.select %eq3A_96, %jit3A_97, %jit3A_94 : i32
        %rem3A_99 = arith.remsi %add3A_93, %select_n3A_98 : i32
        %ne3A_100 = arith.constant 0 : i32
        %ne3A_101 = arith.cmpi ne, %rem3A_99, %ne3A_100 : i32
        %lt3A_102 = arith.constant 0 : i32
        %lt3A_103 = arith.cmpi slt, %rem3A_99, %lt3A_102 : i32
        %lt3A_104 = arith.constant 0 : i32
        %lt3A_105 = arith.cmpi slt, %select_n3A_98, %lt3A_104 : i32
        %ne3A_106 = arith.xori %lt3A_103, %lt3A_105 : i1
        %and3A_107 = arith.andi %ne3A_106, %ne3A_101 : i1
        %add3A_108 = arith.addi %rem3A_99, %select_n3A_98 : i32
        %select_n3A_109 = arith.select %and3A_107, %add3A_108, %rem3A_99 : i32
        %mul3A_110 = arith.constant 2048 : i32
        %mul3A_111 = arith.muli %add3A_91, %mul3A_110 : i32
        %mul3A_112 = arith.constant 16 : i32
        %mul3A_113 = arith.muli %scan3A_62, %mul3A_112 : i32
        %add3A_114 = arith.addi %mul3A_111, %mul3A_113 : i32
        %mul3A_115 = arith.constant 16 : i32
        %mul3A_116 = arith.muli %scan3A_62, %mul3A_115 : i32
        %dma_start3A = tpu.memref_slice %arg7[%select_n3A_109] : memref<2x!tpu.dma_semaphore, #tpu.memory_space<semaphore_mem>> -> memref<1x!tpu.dma_semaphore, #tpu.memory_space<semaphore_mem>>
        %dma_start3A_117 = tpu.memref_squeeze %dma_start3A : memref<1x!tpu.dma_semaphore, #tpu.memory_space<semaphore_mem>> -> memref<!tpu.dma_semaphore, #tpu.memory_space<semaphore_mem>>
        %dma_start3A_118 = arith.constant 0 : i32
        %dma_start3A_119 = tpu.memref_slice %arg6[%select_n3A_109, %mul3A_116, %dma_start3A_118] : memref<2x2048x812xf32, #tpu.memory_space<vmem>> -> memref<1x16x812xf32, #tpu.memory_space<vmem>>
        %dma_start3A_120 = tpu.memref_squeeze %dma_start3A_119 : memref<1x16x812xf32, #tpu.memory_space<vmem>> -> memref<16x812xf32, #tpu.memory_space<vmem>>
        %dma_start3A_121 = arith.constant 0 : i32
        %dma_start3A_122 = tpu.memref_slice %arg4[%add3A_114, %dma_start3A_121] : memref<65536x812xf32, #tpu.memory_space<any>> -> memref<16x812xf32, #tpu.memory_space<any>>
        tpu.enqueue_dma source(%dma_start3A_122 : memref<16x812xf32, #tpu.memory_space<any>>) target(%dma_start3A_120 : memref<16x812xf32, #tpu.memory_space<vmem>>) target_semaphore(%dma_start3A_117 : memref<!tpu.dma_semaphore, #tpu.memory_space<semaphore_mem>>)
      } else {
      }
    }
    %scan3A_5 = arith.constant 128 : i32
    %get3A = arith.constant 0 : index
    %get3A_6 = vector.load %arg2[%get3A] : memref<2048xi32, #tpu.memory_space<vmem>>, vector<2048xi32>
    %reshape3A = vector.shape_cast %get3A_6 : vector<2048xi32> to vector<2048x1xi32>
    %gt3A = arith.constant 0 : i32
    %gt3A_7 = vector.broadcast %gt3A : i32 to vector<2048x1xi32>
    %gt3A_8 = arith.cmpi sgt, %reshape3A, %gt3A_7 : vector<2048x1xi32>
    %get3A_9 = arith.constant 0 : index
    %get3A_10 = arith.constant 0 : index
    %get3A_11 = arith.constant 0 : index
    %get3A_12 = vector.load %arg3[%get3A_9, %get3A_10, %get3A_11] : memref<1x1x812xf32, #tpu.memory_space<vmem>>, vector<1x1x812xf32>
    %reshape3A_13 = vector.shape_cast %get3A_12 : vector<1x1x812xf32> to vector<1x812xf32>
    %jit3A = arith.constant 2 : i32
    %eq3A_14 = arith.constant 0 : i32
    %eq3A_15 = arith.cmpi eq, %jit3A, %eq3A_14 : i32
    %jit3A_16 = arith.constant 1 : i32
    %select_n3A = arith.select %eq3A_15, %jit3A_16, %jit3A : i32
    %rem3A = arith.remsi %arg0, %select_n3A : i32
    %ne3A = arith.constant 0 : i32
    %ne3A_17 = arith.cmpi ne, %rem3A, %ne3A : i32
    %lt3A = arith.constant 0 : i32
    %lt3A_18 = arith.cmpi slt, %rem3A, %lt3A : i32
    %lt3A_19 = arith.constant 0 : i32
    %lt3A_20 = arith.cmpi slt, %select_n3A, %lt3A_19 : i32
    %ne3A_21 = arith.xori %lt3A_18, %lt3A_20 : i1
    %and3A = arith.andi %ne3A_21, %ne3A_17 : i1
    %add3A = arith.addi %rem3A, %select_n3A : i32
    %select_n3A_22 = arith.select %and3A, %add3A, %rem3A : i32
    %get3A_23 = arith.index_cast %select_n3A_22 : i32 to index
    %get3A_24 = arith.constant 0 : index
    %get3A_25 = arith.constant 0 : index
    %get3A_26 = vector.load %arg6[%get3A_23, %get3A_24, %get3A_25] : memref<2x2048x812xf32, #tpu.memory_space<vmem>>, vector<1x2048x812xf32>
    %get3A_27 = vector.shape_cast %get3A_26 : vector<1x2048x812xf32> to vector<2048x812xf32>
    %broadcast_in_dim3A = vector.shape_cast %gt3A_8 : vector<2048x1xi1> to vector<2048x1xi1>
    %broadcast_in_dim3A_28 = vector.broadcast %broadcast_in_dim3A : vector<2048x1xi1> to vector<2048x812xi1>
    %broadcast_in_dim3A_29 = vector.shape_cast %reshape3A_13 : vector<1x812xf32> to vector<1x812xf32>
    %broadcast_in_dim3A_30 = vector.broadcast %broadcast_in_dim3A_29 : vector<1x812xf32> to vector<2048x812xf32>
    %select_n3A_31 = arith.select %broadcast_in_dim3A_28, %broadcast_in_dim3A_30, %get3A_27 : vector<2048x812xi1>, vector<2048x812xf32>
    %swap3A = arith.constant 0 : index
    %swap3A_32 = arith.constant 0 : index
    %swap3A_33 = vector.load %arg5[%swap3A, %swap3A_32] : memref<2048x812xf32, #tpu.memory_space<vmem>>, vector<2048x812xf32>
    tpu.vector_store %arg5[%swap3A, %swap3A_32], %select_n3A_31 {strides = array<i32>} : memref<2048x812xf32, #tpu.memory_space<vmem>>, vector<2048x812xf32>,
    return
  }
  func.func @transform_0(%arg0: i32, %arg1: memref<4224xi32, #tpu.memory_space<smem>>) -> i32 {
    %c0_i32 = arith.constant 0 : i32
    return %arg0 : i32
  }
  func.func @transform_1(%arg0: i32, %arg1: memref<4224xi32, #tpu.memory_space<smem>>) -> (i32, i32, i32) {
    %jit3A = arith.constant 2 : i32
    %div3A = arith.divsi %arg0, %jit3A : i32
    %sign3A = arith.constant 0 : i32
    %sign3A_0 = arith.cmpi sgt, %arg0, %sign3A : i32
    %sign3A_1 = arith.extui %sign3A_0 : i1 to i32
    %sign3A_2 = arith.constant 0 : i32
    %sign3A_3 = arith.cmpi slt, %arg0, %sign3A_2 : i32
    %sign3A_4 = arith.extui %sign3A_3 : i1 to i32
    %sign3A_5 = arith.subi %sign3A_1, %sign3A_4 : i32
    %sign3A_6 = arith.constant 0 : i32
    %sign3A_7 = arith.cmpi sgt, %jit3A, %sign3A_6 : i32
    %sign3A_8 = arith.extui %sign3A_7 : i1 to i32
    %sign3A_9 = arith.constant 0 : i32
    %sign3A_10 = arith.cmpi slt, %jit3A, %sign3A_9 : i32
    %sign3A_11 = arith.extui %sign3A_10 : i1 to i32
    %sign3A_12 = arith.subi %sign3A_8, %sign3A_11 : i32
    %ne3A = arith.cmpi ne, %sign3A_5, %sign3A_12 : i32
    %rem3A = arith.remsi %arg0, %jit3A : i32
    %ne3A_13 = arith.constant 0 : i32
    %ne3A_14 = arith.cmpi ne, %rem3A, %ne3A_13 : i32
    %and3A = arith.andi %ne3A, %ne3A_14 : i1
    %sub3A = arith.constant 1 : i32
    %sub3A_15 = arith.subi %div3A, %sub3A : i32
    %select_n3A = arith.select %and3A, %sub3A_15, %div3A : i32
    %c0_i32 = arith.constant 0 : i32
    %c0_i32_16 = arith.constant 0 : i32
    %c0_i32_17 = arith.constant 0 : i32
    return %select_n3A, %c0_i32, %c0_i32_16 : i32, i32, i32
  }
  func.func @transform_3(%arg0: i32, %arg1: memref<4224xi32, #tpu.memory_space<smem>>) -> (i32, i32) {
    %c0_i32 = arith.constant 0 : i32
    %c0_i32_0 = arith.constant 0 : i32
    return %arg0, %c0_i32 : i32, i32
  }
}

</mosaic_0001>

<sc_bundles>
// kernel: kernel.4.cloned.1.call-start
scs
__scs_entry_jumppad:
0x0: {  	(pc) =	sbr.rel $0x88, $3  }
0x1: {  	(tag) =	ssettag $0x0;
	lr =	simm.s32 $0x1  }
0x2: {  	[smem:$0x3F9C] =	sst lr;
	_ =	strace $0xD0000000  }
0x3: {  	_ = 	snop  }
0x4: {  	_ = 	snop  }
0x5: {  	_ = 	snop  }
0x6: {  	_ = 	snop  }
0x7: {  	_ = 	snop  }
__scs_overlays_trampoline_lowered:
0x8: {  	[smem:$0x3FAB] =	sst s0  }
0x9: {  	[smem:$0x3FAC] =	sst s1  }
0xa: {  	[smem:$0x3FAD] =	sst s2  }
0xb: {  	[smem:$0x3FAE] =	sst s3  }
0xc: {  	[smem:$0x3FAF] =	sst s4  }
0xd: {  	[smem:$0x3FB0] =	sst s5  }
0xe: {  	[smem:$0x3FB1] =	sst s6  }
0xf: {  	[smem:$0x3FB2] =	sst s7  }
0x10: {  	[smem:$0x3FB3] =	sst s8  }
0x11: {  	[smem:$0x3FB4] =	sst s9;
	s0 =	simm.s32 @!p0 $0x0  }
0x12: {  	s1 =	sld [smem:$0x3F9A];
	s0 =	simm.s32 @p0 $0x1  }
0x13: {  	[smem:$0x3FB5] =	sst s0;
	s0 =	simm.s32 @!p1 $0x0  }
0x14: {  	s2 =	sld [smem:$0x3F99];
	s0 =	simm.s32 @p1 $0x1  }
0x15: {  	[smem:$0x3FB6] =	sst s0;
	s0 =	simm.s32 @!p2 $0x0  }
0x16: {  	s3 =	sld [smem:$0x3FDB];
	s0 =	simm.s32 @p2 $0x1  }
0x17: {  	s4 =	simm.s32 $0x1BF5;
	[smem:$0x3FB8] =	sst s0  }
0x18: {  	s0 =	sld [smem:$0x3F9B];
	_ =	swait.ge [sflag:s4], $0x0  }
0x19: {  	s7 =	sld [smem:$0x3F9C]  }
0x1a: {  	s8 =	sadd.s32 $0xFFFFE003, lr  }
0x1b: {  	s9 =	sadd.s32 $0xFFFFFEF7, lr;
	s5 =	simm.s32 $0xFFFFFFFF;
	p2 =	slt.u32 s8, $0xFFFFF086  }
0x1c: {  	p1 =	slt.u32 s9, $0xF7A;
	s5 =	simm.s32 @!p2 $0x0  }
0x1d: {  	s5 =	simm.s32 @p1 $0x1;
	p0 =	seq.s32 s7, s2  }
0x1e: {  	s7 =	smul.u32 @!p0 $0xF7A, s2;
	p2 =	seq.s32 @!p0 s5, $0x0  }
0x1f: {  	s9 =	smul.u32 $0xF7A, s1;
	s8 =	simm.s32 @!p0 $0x1BF5;
	p2 =	por !p2, p0  }
0x20: {  	[sflag:s8] =	ssyncset.s32 @!p0 $0xFFFFF086;
	s6 =	sadd.s32 @!p0 s3, s7;
	s7 =	simm.s32 @!p0 $0x108  }
0x21: {  	s3 =	sadd.s32 s3, s9;
	s6 =	sadd.s32 @!p0 $0x88, s6;
	s7 =	simm.s32 @p2 $0x1082  }
0x22: {  	[simem:s7], [sflag:s8] =	dma.local @!p0 [hbm:s6], $0xF7A  }
0x23: {  	s9 =	sor.u32 $0xD0000000, s2;
	s6 =	simm.s32 $0x108;
	_ =	swait.ge @!p0 [sflag:s8], $0x0  }
0x24: {  	s3 =	sadd.s32 $0x88, s3;
	s6 =	simm.s32 @!p1 $0x1082;
	[sflag:s4] =	ssyncset.s32 $0xFFFFF086  }
0x25: {  	[simem:s6], [sflag:s4] =	dma.local [hbm:s3], $0xF7A  }
0x26: {  	[smem:$0x3F9C] =	sst s1;
	(tag) =	ssettag s2;
	_ =	strace s9  }
0x27: {  	s1 =	sld [smem:$0x3FAC]  }
0x28: {  	s2 =	sld [smem:$0x3FAD]  }
0x29: {  	s4 =	sld [smem:$0x3FAF]  }
0x2a: {  	p0 =	seq.s32 s5, $0x0;
	s5 =	sld [smem:$0x3FB0]  }
0x2b: {  	s6 =	sld [smem:$0x3FB1]  }
0x2c: {  	s7 =	sld [smem:$0x3FB2]  }
0x2d: {  	s3 =	simm.s32 $0x108;
	s8 =	sld [smem:$0x3FB3]  }
0x2e: {  	s3 =	simm.s32 @!p0 $0x1082;
	s9 =	sld [smem:$0x3FB4]  }
0x2f: {  	lr =	sadd.s32 s0, s3;
	s0 =	sld [smem:$0x3FAB]  }
0x30: {  	s3 =	sld [smem:$0x3FAE]  }
0x31: {  	[smem:$0x3FB7] =	sst s10  }
0x32: {  	s10 =	sld [smem:$0x3FB5];
	_ =	sdelay $0x3  }
0x33: {  	p0 =	seq.s32 s10, $0x1;
	s10 =	sld [smem:$0x3FB7];
	_ =	sdelay $0x3  }
0x34: {  	[smem:$0x3FB7] =	sst s10  }
0x35: {  	s10 =	sld [smem:$0x3FB6];
	_ =	sdelay $0x3  }
0x36: {  	p1 =	seq.s32 s10, $0x1;
	s10 =	sld [smem:$0x3FB7];
	_ =	sdelay $0x3  }
0x37: {  	[smem:$0x3FB7] =	sst s10  }
0x38: {  	s10 =	sld [smem:$0x3FB8]  }
0x39: {  	_ = 	snop;
	(pc) =	sbr.ind lr, $3  }
0x3a: {  	_ = 	snop  }
0x3b: {  	_ = 	snop  }
0x3c: {  	p2 =	seq.s32 s10, $0x1;
	s10 =	sld [smem:$0x3FB7]  }
0x3d: {  	_ =	shalt  }
0x3e: {  	_ =	shalt  }
0x3f: {  	_ =	shalt  }
0x40: {  	_ =	shalt  }
0x41: {  	_ =	shalt  }
0x42: {  	_ =	shalt  }
0x43: {  	_ =	shalt  }
0x44: {  	_ =	shalt  }
0x45: {  	_ =	shalt  }
0x46: {  	_ =	shalt  }
0x47: {  	_ =	shalt  }
0x48: {  	_ =	shalt  }
0x49: {  	_ =	shalt  }
0x4a: {  	_ =	shalt  }
0x4b: {  	_ =	shalt  }
0x4c: {  	_ =	shalt  }
0x4d: {  	_ =	shalt  }
0x4e: {  	_ =	shalt  }
0x4f: {  	_ =	shalt  }
0x50: {  	_ =	shalt  }
0x51: {  	_ =	shalt  }
0x52: {  	_ =	shalt  }
0x53: {  	_ =	shalt  }
0x54: {  	_ =	shalt  }
0x55: {  	_ =	shalt  }
0x56: {  	_ =	shalt  }
0x57: {  	_ =	shalt  }
0x58: {  	_ =	shalt  }
0x59: {  	_ =	shalt  }
0x5a: {  	_ =	shalt  }
0x5b: {  	_ =	shalt  }
0x5c: {  	_ =	shalt  }
0x5d: {  	_ =	shalt  }
0x5e: {  	_ =	shalt  }
0x5f: {  	_ =	shalt  }
0x60: {  	_ =	shalt  }
0x61: {  	_ =	shalt  }
0x62: {  	_ =	shalt  }
0x63: {  	_ =	shalt  }
0x64: {  	_ =	shalt  }
0x65: {  	_ =	shalt  }
0x66: {  	_ =	shalt  }
0x67: {  	_ =	shalt  }
0x68: {  	_ =	shalt  }
0x69: {  	_ =	shalt  }
0x6a: {  	_ =	shalt  }
0x6b: {  	_ =	shalt  }
0x6c: {  	_ =	shalt  }
0x6d: {  	_ =	shalt  }
0x6e: {  	_ =	shalt  }
0x6f: {  	_ =	shalt  }
0x70: {  	_ =	shalt  }
0x71: {  	_ =	shalt  }
0x72: {  	_ =	shalt  }
0x73: {  	_ =	shalt  }
0x74: {  	_ =	shalt  }
0x75: {  	_ =	shalt  }
0x76: {  	_ =	shalt  }
0x77: {  	_ =	shalt  }
0x78: {  	_ =	shalt  }
0x79: {  	_ =	shalt  }
0x7a: {  	_ =	shalt  }
0x7b: {  	_ =	shalt  }
0x7c: {  	_ =	shalt  }
0x7d: {  	_ =	shalt  }
0x7e: {  	_ =	shalt  }
0x7f: {  	_ =	shalt  }
0x80: {  	_ =	shalt  }
0x81: {  	_ =	shalt  }
0x82: {  	_ =	shalt  }
0x83: {  	_ =	shalt  }
0x84: {  	_ =	shalt  }
0x85: {  	_ =	shalt  }
0x86: {  	_ =	shalt  }
0x87: {  	_ =	shalt  }
.Lfunc_end0:
.L_simem_size_0:
called_computation_lowered:
.L_overlay_start_0:
0x88: {  	s2 =	sld [smem:$0x3FD9]  }
0x89: {  	s3 =	sld [smem:$0x3FFE];
	_ =	sdelay $0x1  }
0x8a: {  	s1 =	srdreg.scid  }
0x8b: {  	s0 =	sand.u32 $0x1, s1  }
0x8c: {  	s17 =	sshll.u32 s0, $0xA;
	s2 =	sadd.s32 s3, s2  }
0x8d: {  	s2 =	sadd.s32 s2, s17  }
0x8e: {  	[smem:$0x3FC3] =	sst s2  }
0x8f: {  	_ = 	snop  }
0x90: {  	s2 =	sld [smem:$0x3FC7]  }
0x91: {  	s18 =	sld [smem:$0x3FC6]  }
0x92: {  	s4 =	sld [smem:$0x3FC5]  }
0x93: {  	s5 =	sld [smem:$0x3FD0];
	(tm) =	ssettm $0x1  }
0x94: {  	s6 =	sld [smem:$0x3FFB];
	_ =	sdelay $0x3  }
0x95: {  	_ =	strace s6  }
0x96: {  	s6 =	sld [smem:$0x3FFC];
	_ =	sdelay $0x3  }
0x97: {  	_ =	strace s6  }
0x98: {  	s6 =	sld [smem:$0x3FFD];
	_ =	sdelay $0x3  }
0x99: {  	_ =	strace s6  }
0x9a: {  	_ =	strace $0x8FFFFFFF  }
0x9b: {  	s19 =	sld [smem:$0x3FDB];
	_ =	sdelay $0x1  }
0x9c: {  	s7 =	simm.s32 $_scs_section_size  }
0x9d: {  	s8 =	simm.s32 $_size__tile_overlayer_lowered;
	s9 =	simm.s32 $_tile_overlayer_lowered  }
0x9e: {  	s22 =	simm.s32 $0x1BFF;
	s21 =	sshll.u32 s9, $0x1;
	s6 =	sadd.s32 s7, s19  }
0x9f: {  	s10 =	simm.s32 $0x0;
	s20 =	sshll.u32 s8, $0x1;
	s8 =	sadd.s32 s21, s6  }
0xa0: {  	[timem:s10], [sflag:s22] =	dma.local [hbm:s8], s20  }
0xa1: {  	_ =	swait.ge [sflag:s22], s20  }
0xa2: {  	s7 =	ssub.s32 $0x0, s20;
	[sflag:s22] =	ssyncset.done $0x0  }
0xa3: {  	[sflag:s22] =	ssyncadd.s32 s7;
	_ =	sdelay $0x1  }
0xa4: {  	s23 =	simm.s32 $0x1B8B  }
0xa5: {  	_ =	swait.ge [sflag:s23], $0x1  }
0xa6: {  	[sflag:s23] =	ssyncset.done $0x0  }
0xa7: {  	s25 =	simm.s32 $0x1B8E;
	s24 =	sld [smem:$0x3FFE];
	[sflag:s23] =	ssyncadd.s32 $0xFFFFFFFF  }
0xa8: {  	s26 =	simm.s32 $execute0_lowered;
	[smem:$0x3FD2] =	sst s25  }
0xa9: {  	s8 =	sshll.u32 s26, $0x1;
	_ =	strace $0x80000046;
	[dreg:$0x1] =	wrdreg $0xFFFFFFFF  }
0xaa: {  	s28 =	simm.s32 $_size_execute0_lowered;
	s6 =	sadd.s32 s6, s8;
	[dreg:$0x0] =	wrdreg $0x0  }
0xab: {  	s8 =	sshll.u32 s28, $0x1;
	[dreg:$0x2] =	wrdreg s6  }
0xac: {  	[dreg:$0x3] =	wrdreg s8  }
0xad: {  	[dreg:$0x4] =	wrdreg $0xC0  }
0xae: {  	_ =	task [dreg:s10], $0x5FFFF  }
0xaf: {  	[dreg:$0x1] =	wrdreg $0xFFFFFFFF  }
0xb0: {  	[dreg:$0x0] =	wrdreg $0x60  }
0xb1: {  	[dreg:$0x2] =	wrdreg s2  }
0xb2: {  	[dreg:$0x3] =	wrdreg s18  }
0xb3: {  	[dreg:$0x4] =	wrdreg s4  }
0xb4: {  	[dreg:$0x5] =	wrdreg s5  }
0xb5: {  	[dreg:$0x6] =	wrdreg s24  }
0xb6: {  	[dreg:$0x7] =	wrdreg $0x14F800  }
0xb7: {  	[dreg:$0x8] =	wrdreg $0x9  }
0xb8: {  	_ =	task.clear_ibuf [dreg:s10], $0x9FFFF;
	_ =	strace $0x90000046  }
0xb9: {  	s29 =	simm.s32 $0x9;
	_ =	strace $0x80000048  }
0xba: {  	_ =	swait.ge [sflag:s29], $0x1  }
0xbb: {  	[sflag:s29] =	ssyncadd.s32 $0xFFFFFFFF  }
0xbc: {  	_ =	strace $0x90000048  }
0xbd: {  	_ =	sfence  }
0xbe: {  	s30 =	sld [smem:$0x0];
	_ =	sdelay $0x2  }
0xbf: {  	s31 =	sshll.u32 s1, $0xD;
	s1 =	sshrl.u32 s1, $0x2  }
0xc0: {  	s3 =	sand.u32 $0x4000, s31;
	s1 =	sadd.s32 s1, s30  }
0xc1: {  	s0 =	sor.u32 s3, s0;
	s1 =	sshll.u32 s1, $0x11  }
0xc2: {  	s0 =	sor.u32 s1, s0  }
0xc3: {  	s0 =	sadd.s32 $0x8F2B, s0  }
0xc4: {  	[sflag:s0] =	ssyncadd.remote.s32 $0x1  }
0xc5: {  	_ =	sfence.sel $0xFFFF  }
0xc6: {  	[dreg:$0x0] =	wrdreg $0xFFFFFFFF;
	(pc) =	sbr.abs _section_cstart, $3  }
0xc7: {  	[dreg:$0x1] =	wrdreg $0xFFFFFFFF  }
0xc8: {  	_ =	task.clear_ibuf [dreg:s10], $0x2FFFF;
	_ =	strace $0x9FFFFFFF  }
0xc9: {  	(tm) =	ssettm $0x7FFFFFFF  }
tec
execute0_lowered:
.L_overlay_start_1:
0x0: {  	(tag) =	ssettag $0x1  }
0x1: {  	s0 =	rddreg [dreg:$0x0]  }
0x2: {  	s1 =	rddreg [dreg:$0x1]  }
0x3: {  	s6 =	rddreg [dreg:$0x2]  }
0x4: {  	s9 =	rddreg [dreg:$0x3]  }
0x5: {  	s4 =	rddreg [dreg:$0x4]  }
0x6: {  	s2 =	rddreg [dreg:$0x5]  }
0x7: {  	s3 =	srdreg.scid;
	s11 =	stileid.u32  }
0x8: {  	s14 =	simm.s32 $0x2;
	s18 =	simm.s32 $0x80;
	s19 =	simm.s32 $0x12D00  }
0x9: {  	s20 =	simm.s32 $0x1;
	s17 =	simm.s32 $0x14600;
	s21 =	simm.s32 $0x14E80  }
0xa: {  	s22 =	simm.s32 $0x14680;
	s5 =	sand.u32 $0x1, s3;
	s3 =	simm.s32 $0x0  }
0xb: {  	s10 =	sshll.u32 s11, $0x7;
	s24 =	smul.u32 $0x960, s11;
	s25 =	sshll.u32 s11, $0x4  }
0xc: {  	s26 =	smul.u32 $0x2440, s11;
	s29 =	sshll.u32 s11, $0xB;
	s7 =	sshll.u32 s5, $0xB  }
0xd: {  	[smem:$0x7FF] =	sst s3;
	s8 =	ssub.s32 $0x2, s5;
	s15 =	sshll.u32 s5, $0xF  }
0xe: {  	s16 =	sor.u32 $0x8000, s25;
	s7 =	sor.u32 s10, s7;
	_ =	strace $0x80000047  }
0xf: {  	s23 =	sshrl.u32 s8, $0x1;
	s5 =	sadd.s32 s1, s24;
	s28 =	sshrl.u32 s26, $0x2  }
0x10: {  	v0 =	vlaneseq.u32;
	s6 =	sadd.s32 s6, s24;
	s30 =	sor.u32 s29, s15;
	v1 =	vmov s15;
	s15 =	simm.s32 $0x14580  }
0x11: {  	v0 =	vor.u32 s16, v0;
	s16 =	simm.s32 $0x14E00;
	s7 =	sshrl.u32 s7, $0x3;
	s13 =	ssub.s32 s8, s23  }
0x12: {  	s8 =	sadd.s32 s29, s2;
	s31 =	sshrl.u32 s30, $0x3;
	s23 =	simm.s32 $0x14F00  }
0x13: {  	s12 =	sadd.s32 s7, s4;
	s4 =	sadd.s32 s0, s24;
	s7 =	sadd.s32 s28, s2  }
0x14: {  	v1 =	vsub.s32 $0x0, v1;
	s0 =	sadd.s32 $0x8100, s10;
	s10 =	sadd.s32 s9, s31;
	s13 =	smax.u32 s13, $0x1  }
0x15: {  	v2 =	vimm.s32 $0x1;
	v3 =	vimm.s32 $0x0;
	v1 =	vbroadcast v1, $0x0;
	s24 =	simm.s32 $0x0;
	s11 =	sadd.s32 s2, s0;
	s12 =	sadd.s32 $0xC00, s12  }
.LBB2_1:
0x16: {  	[tilespmem:s3], [sflag:$0x2] =	stream.linear.gather [hbm4b:s4+s3], $0x4B00, $0x38;
	[tilespmem:$0x15890] =	vst v63  }
0x17: {  	_ =	swait.ge [sflag:s14], $0x4B00  }
0x18: {  	[sflag:s14] =	ssyncset.done $0x0  }
0x19: {  	s1 =	simm.s32 $0x4B00;
	[sflag:s14] =	ssyncadd.s32 $0xFFFFB500  }
0x1a: {  	[tilespmem:s1], [sflag:$0x2] =	stream.linear.gather [hbm4b:s5+s3], $0x4B00, $0x38;
	[tilespmem:$0x15890] =	vst v63  }
0x1b: {  	_ =	swait.ge [sflag:s14], $0x4B00  }
0x1c: {  	[sflag:s14] =	ssyncset.done $0x0  }
0x1d: {  	s31 =	simm.s32 $0x9600;
	[sflag:s14] =	ssyncadd.s32 $0xFFFFB500  }
0x1e: {  	[tilespmem:s31], [sflag:$0x2] =	stream.linear.gather [hbm4b:s6+s3], $0x4B00, $0x38;
	[tilespmem:$0x15890] =	vst v63  }
0x1f: {  	_ =	swait.ge [sflag:s14], $0x4B00  }
0x20: {  	[sflag:s14] =	ssyncset.done $0x0  }
0x21: {  	[sflag:s14] =	ssyncadd.s32 $0xFFFFB500  }
0x22: {  	[tilespmem:$0x12D00] =	vst v2  }
0x23: {  	[tilespmem:$0x12D10] =	vst v2  }
0x24: {  	[tilespmem:$0x12D20] =	vst v2  }
0x25: {  	[tilespmem:$0x12D30] =	vst v2  }
0x26: {  	[tilespmem:$0x12D40] =	vst v2  }
0x27: {  	[tilespmem:$0x12D50] =	vst v2  }
0x28: {  	[tilespmem:$0x12D60] =	vst v2  }
0x29: {  	s1 =	simm.s32 $0x0;
	[tilespmem:$0x12D70] =	vst v2  }
.LBB2_2:
0x2a: {  	p0 =	sne.s32 s1, $0x2400  }
.Ltmp0:
0x2b: {  	_ = 	snop;
	(pc) =	sbr.rel @p0 .LBB2_2-.Ltmp0, $3  }
0x2c: {  	_ =	sdelay $0x1  }
0x2d: {  	s9 =	sshra.s32 s1, $0x2  }
0x2e: {  	s1 =	sadd.s32 $0x40, s1;
	[tilespmem:s9+$0x12D80] =	vst v3  }
0x2f: {  	s25 =	simm.s32 $0x0  }
0x30: {  	v4 =	vld [tilespmem:s25+$0x70]  }
0x31: {  	v5 =	vld [tilespmem:s25+$0x4B70]  }
0x32: {  	v6 =	vld [tilespmem:s25+$0x9670]  }
0x33: {  	v7 =	vld [tilespmem:s25+$0x0]  }
0x34: {  	v8 =	vld [tilespmem:s25+$0x4B00]  }
0x35: {  	v9 =	vld [tilespmem:s25+$0x10]  }
0x36: {  	v10 =	vld [tilespmem:s25+$0x4B10]  }
0x37: {  	v11 =	vld [tilespmem:s25+$0x20]  }
0x38: {  	v12 =	vld [tilespmem:s25+$0x4B30]  }
0x39: {  	v13 =	vld [tilespmem:s25+$0x40]  }
0x3a: {  	v14 =	vld [tilespmem:s25+$0x50]  }
0x3b: {  	v15 =	vld [tilespmem:s25+$0x4B50];
	v5 =	vshll.u32 v5, $0x6;
	v4 =	vadd.s32 v1, v4  }
0x3c: {  	v16 =	vld [tilespmem:s25+$0x60];
	v6 =	vshll.u32 v6, $0xC;
	v4 =	vadd.s32 v5, v4  }
0x3d: {  	v5 =	vld [tilespmem:s25+$0x4B20];
	v4 =	vadd.s32 v6, v4  }
0x3e: {  	v18 =	vld [tilespmem:s25+$0x9600];
	vm0 =	vlt.u32 v4, $0x8000  }
0x3f: {  	v6 =	vld [tilespmem:s25+$0x30];
	v4 =	vsel vm0, v4, v0  }
0x40: {  	v7 =	vadd.s32 v1, v7;
	[tilespmem:s25+$0xE170] =	vst v4;
	v4 =	vld [tilespmem:s25+$0x4B40]  }
0x41: {  	v17 =	vld [tilespmem:s25+$0x4B60];
	v8 =	vshll.u32 v8, $0x6;
	v9 =	vadd.s32 v1, v9;
	v10 =	vshll.u32 v10, $0x6  }
0x42: {  	v21 =	vld [tilespmem:s25+$0x9620];
	v11 =	vadd.s32 v1, v11;
	v19 =	vadd.s32 v8, v7;
	v5 =	vshll.u32 v5, $0x6  }
0x43: {  	v20 =	vadd.s32 v10, v9;
	v10 =	vld [tilespmem:s25+$0x9610];
	v9 =	vadd.s32 v1, v13;
	v7 =	vadd.s32 v5, v11  }
0x44: {  	v5 =	vadd.s32 v1, v6;
	v6 =	vshll.u32 v12, $0x6;
	v11 =	vadd.s32 v1, v14  }
0x45: {  	v13 =	vld [tilespmem:s25+$0x9630];
	v12 =	vshll.u32 v15, $0x6;
	v14 =	vshll.u32 v18, $0xC;
	v4 =	vshll.u32 v4, $0x6  }
0x46: {  	v8 =	vadd.s32 v6, v5;
	v6 =	vadd.s32 v4, v9;
	v4 =	vadd.s32 v12, v11;
	v11 =	vld [tilespmem:s25+$0x9640]  }
0x47: {  	v5 =	vadd.s32 v1, v16;
	v15 =	vadd.s32 v14, v19;
	v9 =	vld [tilespmem:s25+$0x9650]  }
0x48: {  	s26 =	simm.s32 $0x80;
	v14 =	vshll.u32 v10, $0xC;
	v10 =	vld [tilespmem:s25+$0x9660];
	v16 =	vshll.u32 v21, $0xC;
	v12 =	vshll.u32 v17, $0x6  }
0x49: {  	s28 =	simm.s32 $0x400;
	vm1 =	vlt.u32 v15, $0x8000;
	v14 =	vadd.s32 v14, v20;
	v5 =	vadd.s32 v12, v5;
	v12 =	vld [tilespmem:s26+$0x70]  }
.LBB2_4:
0x4a: {  	p0 =	sne.s32 s28, $0x12A00;
	v17 =	vld [tilespmem:s26+$0x4B70];
	vm5 =	vlt.u32 v14, $0x8000;
	v7 =	vadd.s32 v16, v7;
	v13 =	vshll.u32 v13, $0xC  }
0x4b: {  	v16 =	vld [tilespmem:s26+$0x9670];
	vm4 =	vlt.u32 v7, $0x8000;
	v8 =	vadd.s32 v13, v8;
	v11 =	vshll.u32 v11, $0xC  }
0x4c: {  	v13 =	vld [tilespmem:s26+$0x0];
	vm2 =	vlt.u32 v8, $0x8000;
	v6 =	vadd.s32 v11, v6;
	v9 =	vshll.u32 v9, $0xC  }
0x4d: {  	v11 =	vld [tilespmem:s26+$0x4B00];
	vm0 =	vlt.u32 v6, $0x8000;
	v4 =	vadd.s32 v9, v4;
	v9 =	vshll.u32 v10, $0xC  }
0x4e: {  	v15 =	vsel vm1, v15, v0;
	v10 =	vld [tilespmem:s26+$0x10];
	vm1 =	vlt.u32 v4, $0x8000;
	v5 =	vadd.s32 v9, v5  }
0x4f: {  	v12 =	vadd.s32 v1, v12;
	v9 =	vld [tilespmem:s26+$0x4B10];
	v17 =	vshll.u32 v17, $0x6;
	[tilespmem:s25+$0xE100] =	vst v15;
	vm3 =	vlt.u32 v5, $0x8000  }
0x50: {  	v14 =	vsel vm5, v14, v0;
	v15 =	vld [tilespmem:s26+$0x20];
	v16 =	vshll.u32 v16, $0xC;
	v12 =	vadd.s32 v17, v12  }
0x51: {  	v7 =	vsel vm4, v7, v0;
	v13 =	vadd.s32 v1, v13;
	v17 =	vld [tilespmem:s26+$0x4B20];
	v12 =	vadd.s32 v16, v12;
	[tilespmem:s25+$0xE110] =	vst v14  }
0x52: {  	v11 =	vshll.u32 v11, $0x6;
	v14 =	vld [tilespmem:s26+$0x30];
	vm4 =	vlt.u32 v12, $0x8000;
	[tilespmem:s25+$0xE120] =	vst v7;
	v7 =	vsel vm2, v8, v0  }
0x53: {  	v16 =	vadd.s32 v11, v13;
	v8 =	vadd.s32 v1, v10;
	v10 =	vld [tilespmem:s26+$0x4B30];
	v11 =	vsel vm4, v12, v0;
	[tilespmem:s25+$0xE130] =	vst v7  }
0x54: {  	v6 =	vsel vm0, v6, v0;
	v4 =	vsel vm1, v4, v0;
	v7 =	vshll.u32 v9, $0x6;
	v9 =	vld [tilespmem:s26+$0x40];
	[tilespmem:s26+$0xE170] =	vst v11  }
0x55: {  	v5 =	vsel vm3, v5, v0;
	v18 =	vadd.s32 v7, v8;
	v7 =	vadd.s32 v1, v15;
	v11 =	vld [tilespmem:s26+$0x4B40];
	[tilespmem:s25+$0xE140] =	vst v6  }
0x56: {  	v6 =	vshll.u32 v17, $0x6;
	v12 =	vld [tilespmem:s26+$0x50];
	[tilespmem:s25+$0xE150] =	vst v4  }
0x57: {  	v7 =	vadd.s32 v6, v7;
	v4 =	vadd.s32 v1, v14;
	v13 =	vld [tilespmem:s26+$0x4B50];
	[tilespmem:s25+$0xE160] =	vst v5;
	s25 =	smov.u32 s26  }
0x58: {  	v5 =	vshll.u32 v10, $0x6;
	v10 =	vld [tilespmem:s25+$0x60]  }
0x59: {  	v8 =	vadd.s32 v5, v4;
	v4 =	vadd.s32 v1, v9;
	v5 =	vld [tilespmem:s25+$0x4B60]  }
0x5a: {  	v9 =	vld [tilespmem:s25+$0x9600];
	v6 =	vshll.u32 v11, $0x6  }
0x5b: {  	v14 =	vld [tilespmem:s25+$0x9610];
	v6 =	vadd.s32 v6, v4;
	v4 =	vadd.s32 v1, v12  }
0x5c: {  	v17 =	vld [tilespmem:s25+$0x9620];
	v11 =	vshll.u32 v13, $0x6  }
.Ltmp1:
0x5d: {  	v13 =	vld [tilespmem:s25+$0x9630];
	v4 =	vadd.s32 v11, v4;
	v10 =	vadd.s32 v1, v10;
	(pc) =	sbr.rel @p0 .LBB2_4-.Ltmp1, $4  }
0x5e: {  	v11 =	vld [tilespmem:s25+$0x9640];
	v5 =	vshll.u32 v5, $0x6  }
0x5f: {  	v12 =	vshll.u32 v9, $0xC;
	v9 =	vld [tilespmem:s25+$0x9650];
	v5 =	vadd.s32 v5, v10  }
0x60: {  	s26 =	sshra.s32 s28, $0x2;
	v15 =	vadd.s32 v12, v16;
	v14 =	vshll.u32 v14, $0xC;
	v10 =	vld [tilespmem:s25+$0x9660]  }
0x61: {  	s28 =	sadd.s32 $0x200, s28;
	v12 =	vld [tilespmem:s26+$0x70];
	vm1 =	vlt.u32 v15, $0x8000;
	v14 =	vadd.s32 v14, v18;
	v16 =	vshll.u32 v17, $0xC  }
0x62: {  	v17 =	vld [tilespmem:s26+$0x4B70]  }
0x63: {  	v18 =	vld [tilespmem:s26+$0x9670]  }
0x64: {  	v19 =	vld [tilespmem:s26+$0x0]  }
0x65: {  	v20 =	vld [tilespmem:s26+$0x4B00];
	v15 =	vsel vm1, v15, v0;
	vm0 =	vlt.u32 v14, $0x8000  }
0x66: {  	v21 =	vld [tilespmem:s26+$0x10];
	v7 =	vadd.s32 v16, v7;
	v13 =	vshll.u32 v13, $0xC;
	v14 =	vsel vm0, v14, v0  }
0x67: {  	v22 =	vld [tilespmem:s26+$0x4B10];
	[tilespmem:s25+$0xE100] =	vst v15;
	v8 =	vadd.s32 v13, v8;
	vm4 =	vlt.u32 v7, $0x8000;
	v37 =	vshll.u32 v11, $0xC  }
0x68: {  	v15 =	vld [tilespmem:s26+$0x20];
	v7 =	vsel vm4, v7, v0;
	v12 =	vadd.s32 v1, v12;
	v34 =	vshll.u32 v17, $0x6  }
0x69: {  	v33 =	vld [tilespmem:s26+$0x4B20];
	[tilespmem:s25+$0xE110] =	vst v14;
	vm5 =	vlt.u32 v8, $0x8000;
	v35 =	vshll.u32 v18, $0xC;
	v12 =	vadd.s32 v34, v12  }
0x6a: {  	v6 =	vadd.s32 v37, v6;
	v9 =	vshll.u32 v9, $0xC;
	v14 =	vld [tilespmem:s26+$0x30];
	[tilespmem:s25+$0xE120] =	vst v7;
	v7 =	vadd.s32 v35, v12  }
0x6b: {  	v8 =	vsel vm5, v8, v0;
	vm7 =	vlt.u32 v6, $0x8000;
	vm6 =	vlt.u32 v7, $0x8000  }
0x6c: {  	v4 =	vadd.s32 v9, v4;
	v40 =	vshll.u32 v10, $0xC;
	v36 =	vld [tilespmem:s26+$0x4B30];
	[tilespmem:s25+$0xE130] =	vst v8;
	v7 =	vsel vm6, v7, v0  }
0x6d: {  	v6 =	vsel vm7, v6, v0;
	vm8 =	vlt.u32 v4, $0x8000;
	v5 =	vadd.s32 v40, v5;
	v38 =	vld [tilespmem:s26+$0x40];
	[tilespmem:s26+$0xE170] =	vst v7  }
0x6e: {  	v39 =	vld [tilespmem:s26+$0x4B40];
	v4 =	vsel vm8, v4, v0;
	vm9 =	vlt.u32 v5, $0x8000;
	[tilespmem:s25+$0xE140] =	vst v6  }
0x6f: {  	v6 =	vld [tilespmem:s26+$0x50];
	[tilespmem:s25+$0xE150] =	vst v4;
	v4 =	vsel vm9, v5, v0  }
0x70: {  	v5 =	vld [tilespmem:s26+$0x4B50];
	[tilespmem:s25+$0xE160] =	vst v4  }
0x71: {  	v4 =	vld [tilespmem:s26+$0x60]  }
0x72: {  	v43 =	vld [tilespmem:s26+$0x4B60]  }
0x73: {  	v45 =	vld [tilespmem:s26+$0x9600]  }
0x74: {  	v47 =	vld [tilespmem:s26+$0x9610]  }
0x75: {  	v41 =	vadd.s32 v1, v19;
	v48 =	vld [tilespmem:s26+$0x9620]  }
0x76: {  	v42 =	vshll.u32 v20, $0x6;
	v44 =	vadd.s32 v1, v21;
	v46 =	vshll.u32 v22, $0x6;
	v49 =	vld [tilespmem:s26+$0x9630]  }
0x77: {  	v9 =	vadd.s32 v42, v41;
	v15 =	vadd.s32 v1, v15;
	v16 =	vshll.u32 v33, $0x6;
	v50 =	vld [tilespmem:s26+$0x9640]  }
0x78: {  	v10 =	vadd.s32 v46, v44;
	v15 =	vadd.s32 v16, v15;
	v14 =	vadd.s32 v1, v14;
	v52 =	vld [tilespmem:s26+$0x9650]  }
0x79: {  	v12 =	vshll.u32 v36, $0x6;
	v8 =	vadd.s32 v1, v38;
	v7 =	vshll.u32 v39, $0x6;
	v55 =	vld [tilespmem:s26+$0x9660]  }
0x7a: {  	v12 =	vadd.s32 v12, v14;
	v7 =	vadd.s32 v7, v8;
	v6 =	vadd.s32 v1, v6  }
0x7b: {  	v5 =	vshll.u32 v5, $0x6;
	v4 =	vadd.s32 v1, v4;
	v11 =	vshll.u32 v43, $0x6  }
0x7c: {  	v5 =	vadd.s32 v5, v6;
	v51 =	vshll.u32 v45, $0xC;
	v53 =	vshll.u32 v47, $0xC  }
0x7d: {  	v54 =	vshll.u32 v48, $0xC;
	v8 =	vshll.u32 v49, $0xC;
	v57 =	vshll.u32 v50, $0xC  }
0x7e: {  	v59 =	vshll.u32 v52, $0xC;
	v61 =	vshll.u32 v55, $0xC;
	v6 =	vadd.s32 v51, v9  }
0x7f: {  	v4 =	vadd.s32 v11, v4;
	v9 =	vadd.s32 v53, v10;
	vm10 =	vlt.u32 v6, $0x8000  }
0x80: {  	v56 =	vadd.s32 v54, v15;
	vm11 =	vlt.u32 v9, $0x8000;
	v6 =	vsel vm10, v6, v0  }
0x81: {  	v8 =	vadd.s32 v8, v12;
	vm2 =	vlt.u32 v56, $0x8000;
	v58 =	vsel vm11, v9, v0;
	[tilespmem:s26+$0xE100] =	vst v6  }
0x82: {  	v7 =	vadd.s32 v57, v7;
	vm12 =	vlt.u32 v8, $0x8000;
	v60 =	vsel vm2, v56, v0;
	[tilespmem:s26+$0xE110] =	vst v58  }
0x83: {  	v5 =	vadd.s32 v59, v5;
	vm13 =	vlt.u32 v7, $0x8000;
	v62 =	vsel vm12, v8, v0;
	[tilespmem:s26+$0xE120] =	vst v60  }
0x84: {  	vm14 =	vlt.u32 v5, $0x8000;
	v4 =	vadd.s32 v61, v4;
	v63 =	vsel vm13, v7, v0;
	[tilespmem:s26+$0xE130] =	vst v62  }
0x85: {  	vm15 =	vlt.u32 v4, $0x8000;
	v5 =	vsel vm14, v5, v0;
	[tilespmem:s26+$0xE140] =	vst v63  }
0x86: {  	v4 =	vsel vm15, v4, v0;
	[tilespmem:s26+$0xE150] =	vst v5  }
0x87: {  	s1 =	simm.s32 $0x12D80;
	[tilespmem:s26+$0xE160] =	vst v4  }
0x88: {  	[spmem:s7] =	stream.linear.scatter [tilespmem:s1], [sflag:$0x2], $0x910, $0x38;
	[tilespmem:$0x15890] =	vst v63  }
0x89: {  	_ =	swait.ge [sflag:s14], $0x910  }
0x8a: {  	[sflag:s14] =	ssyncset.done $0x0  }
0x8b: {  	[sflag:s14] =	ssyncadd.s32 $0xFFFFF6F0  }
0x8c: {  	s26 =	simm.s32 $0xE100;
	[bflag:$0x0] =	sbarrier.arrive $0xFFFF  }
0x8d: {  	[spmem:s2] =	stream.indirect.scatter.add.s32 [tilespmem:s19], [sflag:$0x1], $0x1, s26, s18, $0xb8;
	[tilespmem:$0x15890] =	vst v63  }
0x8e: {  	s29 =	simm.s32 $0xE180  }
0x8f: {  	[spmem:s2] =	stream.indirect.scatter.add.s32 [tilespmem:s19], [sflag:$0x1], $0x1, s29, s18, $0xb8;
	[tilespmem:$0x15890] =	vst v63  }
0x90: {  	s30 =	simm.s32 $0xE200  }
0x91: {  	[spmem:s2] =	stream.indirect.scatter.add.s32 [tilespmem:s19], [sflag:$0x1], $0x1, s30, s18, $0xb8;
	[tilespmem:$0x15890] =	vst v63  }
0x92: {  	s31 =	simm.s32 $0xE280  }
0x93: {  	[spmem:s2] =	stream.indirect.scatter.add.s32 [tilespmem:s19], [sflag:$0x1], $0x1, s31, s18, $0xb8;
	[tilespmem:$0x15890] =	vst v63  }
0x94: {  	s9 =	simm.s32 $0xE300  }
0x95: {  	[spmem:s2] =	stream.indirect.scatter.add.s32 [tilespmem:s19], [sflag:$0x1], $0x1, s9, s18, $0xb8;
	[tilespmem:$0x15890] =	vst v63  }
0x96: {  	s25 =	simm.s32 $0xE380  }
0x97: {  	[spmem:s2] =	stream.indirect.scatter.add.s32 [tilespmem:s19], [sflag:$0x1], $0x1, s25, s18, $0xb8;
	[tilespmem:$0x15890] =	vst v63  }
0x98: {  	s26 =	simm.s32 $0xE400  }
0x99: {  	[spmem:s2] =	stream.indirect.scatter.add.s32 [tilespmem:s19], [sflag:$0x1], $0x1, s26, s18, $0xb8;
	[tilespmem:$0x15890] =	vst v63  }
0x9a: {  	s29 =	simm.s32 $0xE480  }
0x9b: {  	[spmem:s2] =	stream.indirect.scatter.add.s32 [tilespmem:s19], [sflag:$0x1], $0x1, s29, s18, $0xb8;
	[tilespmem:$0x15890] =	vst v63  }
0x9c: {  	s30 =	simm.s32 $0xE500  }
0x9d: {  	[spmem:s2] =	stream.indirect.scatter.add.s32 [tilespmem:s19], [sflag:$0x1], $0x1, s30, s18, $0xb8;
	[tilespmem:$0x15890] =	vst v63  }
0x9e: {  	s31 =	simm.s32 $0xE580  }
0x9f: {  	[spmem:s2] =	stream.indirect.scatter.add.s32 [tilespmem:s19], [sflag:$0x1], $0x1, s31, s18, $0xb8;
	[tilespmem:$0x15890] =	vst v63  }
0xa0: {  	_ =	swait.ge [sflag:s20], $0x80  }
0xa1: {  	[sflag:s20] =	ssyncset.done $0x0  }
0xa2: {  	[sflag:s20] =	ssyncadd.s32 $0xFFFFFF80  }
0xa3: {  	_ =	swait.ge [sflag:s20], $0x80  }
0xa4: {  	[sflag:s20] =	ssyncset.done $0x0  }
0xa5: {  	[sflag:s20] =	ssyncadd.s32 $0xFFFFFF80  }
0xa6: {  	_ =	swait.ge [sflag:s20], $0x80  }
0xa7: {  	[sflag:s20] =	ssyncset.done $0x0  }
0xa8: {  	[sflag:s20] =	ssyncadd.s32 $0xFFFFFF80  }
0xa9: {  	_ =	swait.ge [sflag:s20], $0x80  }
0xaa: {  	[sflag:s20] =	ssyncset.done $0x0  }
0xab: {  	[sflag:s20] =	ssyncadd.s32 $0xFFFFFF80  }
0xac: {  	_ =	swait.ge [sflag:s20], $0x80  }
0xad: {  	[sflag:s20] =	ssyncset.done $0x0  }
0xae: {  	[sflag:s20] =	ssyncadd.s32 $0xFFFFFF80  }
0xaf: {  	_ =	swait.ge [sflag:s20], $0x80  }
0xb0: {  	[sflag:s20] =	ssyncset.done $0x0  }
0xb1: {  	[sflag:s20] =	ssyncadd.s32 $0xFFFFFF80  }
0xb2: {  	_ =	swait.ge [sflag:s20], $0x80  }
0xb3: {  	[sflag:s20] =	ssyncset.done $0x0  }
0xb4: {  	[sflag:s20] =	ssyncadd.s32 $0xFFFFFF80  }
0xb5: {  	_ =	swait.ge [sflag:s20], $0x80  }
0xb6: {  	[sflag:s20] =	ssyncset.done $0x0  }
0xb7: {  	[sflag:s20] =	ssyncadd.s32 $0xFFFFFF80  }
0xb8: {  	_ =	swait.ge [sflag:s20], $0x80  }
0xb9: {  	[sflag:s20] =	ssyncset.done $0x0  }
0xba: {  	[sflag:s20] =	ssyncadd.s32 $0xFFFFFF80  }
0xbb: {  	_ =	swait.ge [sflag:s20], $0x80  }
0xbc: {  	s28 =	simm.s32 $0x500;
	s1 =	simm.s32 $0x2800;
	[sflag:s20] =	ssyncset.done $0x0  }
.LBB2_6:
0xbd: {  	s9 =	sadd.s32 $0xE100, s28  }
0xbe: {  	[sflag:s20] =	ssyncadd.s32 $0xFFFFFF80;
	s26 =	smov.u32 s1;
	s25 =	sadd.s32 $0x1400, s1  }
0xbf: {  	[spmem:s2] =	stream.indirect.scatter.add.s32 [tilespmem:s19], [sflag:$0x1], $0x1, s9, s18, $0xb8;
	[tilespmem:$0x15890] =	vst v63  }
0xc0: {  	p0 =	sne.s32 s1, $0x11800;
	s1 =	sadd.s32 $0xE180, s28  }
0xc1: {  	[spmem:s2] =	stream.indirect.scatter.add.s32 [tilespmem:s19], [sflag:$0x1], $0x1, s1, s18, $0xb8;
	[tilespmem:$0x15890] =	vst v63  }
0xc2: {  	s1 =	sadd.s32 $0xE200, s28  }
0xc3: {  	[spmem:s2] =	stream.indirect.scatter.add.s32 [tilespmem:s19], [sflag:$0x1], $0x1, s1, s18, $0xb8;
	[tilespmem:$0x15890] =	vst v63  }
0xc4: {  	s1 =	sadd.s32 $0xE280, s28  }
0xc5: {  	[spmem:s2] =	stream.indirect.scatter.add.s32 [tilespmem:s19], [sflag:$0x1], $0x1, s1, s18, $0xb8;
	[tilespmem:$0x15890] =	vst v63  }
0xc6: {  	s1 =	sadd.s32 $0xE300, s28  }
0xc7: {  	[spmem:s2] =	stream.indirect.scatter.add.s32 [tilespmem:s19], [sflag:$0x1], $0x1, s1, s18, $0xb8;
	[tilespmem:$0x15890] =	vst v63  }
0xc8: {  	s1 =	sadd.s32 $0xE380, s28  }
0xc9: {  	[spmem:s2] =	stream.indirect.scatter.add.s32 [tilespmem:s19], [sflag:$0x1], $0x1, s1, s18, $0xb8;
	[tilespmem:$0x15890] =	vst v63  }
0xca: {  	s1 =	sadd.s32 $0xE400, s28  }
0xcb: {  	[spmem:s2] =	stream.indirect.scatter.add.s32 [tilespmem:s19], [sflag:$0x1], $0x1, s1, s18, $0xb8;
	[tilespmem:$0x15890] =	vst v63  }
0xcc: {  	s1 =	sadd.s32 $0xE480, s28  }
0xcd: {  	[spmem:s2] =	stream.indirect.scatter.add.s32 [tilespmem:s19], [sflag:$0x1], $0x1, s1, s18, $0xb8;
	[tilespmem:$0x15890] =	vst v63  }
0xce: {  	s1 =	sadd.s32 $0xE500, s28  }
0xcf: {  	[spmem:s2] =	stream.indirect.scatter.add.s32 [tilespmem:s19], [sflag:$0x1], $0x1, s1, s18, $0xb8;
	[tilespmem:$0x15890] =	vst v63  }
0xd0: {  	s1 =	sadd.s32 $0xE580, s28  }
0xd1: {  	[spmem:s2] =	stream.indirect.scatter.add.s32 [tilespmem:s19], [sflag:$0x1], $0x1, s1, s18, $0xb8;
	[tilespmem:$0x15890] =	vst v63  }
0xd2: {  	_ =	swait.ge [sflag:s20], $0x80  }
0xd3: {  	[sflag:s20] =	ssyncset.done $0x0  }
0xd4: {  	[sflag:s20] =	ssyncadd.s32 $0xFFFFFF80  }
0xd5: {  	_ =	swait.ge [sflag:s20], $0x80  }
0xd6: {  	[sflag:s20] =	ssyncset.done $0x0  }
0xd7: {  	[sflag:s20] =	ssyncadd.s32 $0xFFFFFF80  }
0xd8: {  	_ =	swait.ge [sflag:s20], $0x80  }
0xd9: {  	[sflag:s20] =	ssyncset.done $0x0  }
0xda: {  	[sflag:s20] =	ssyncadd.s32 $0xFFFFFF80  }
0xdb: {  	_ =	swait.ge [sflag:s20], $0x80  }
0xdc: {  	[sflag:s20] =	ssyncset.done $0x0  }
0xdd: {  	[sflag:s20] =	ssyncadd.s32 $0xFFFFFF80  }
0xde: {  	_ =	swait.ge [sflag:s20], $0x80  }
0xdf: {  	[sflag:s20] =	ssyncset.done $0x0  }
0xe0: {  	[sflag:s20] =	ssyncadd.s32 $0xFFFFFF80  }
0xe1: {  	_ =	swait.ge [sflag:s20], $0x80  }
0xe2: {  	[sflag:s20] =	ssyncset.done $0x0  }
0xe3: {  	[sflag:s20] =	ssyncadd.s32 $0xFFFFFF80  }
0xe4: {  	_ =	swait.ge [sflag:s20], $0x80  }
0xe5: {  	[sflag:s20] =	ssyncset.done $0x0  }
0xe6: {  	[sflag:s20] =	ssyncadd.s32 $0xFFFFFF80  }
0xe7: {  	_ =	swait.ge [sflag:s20], $0x80  }
0xe8: {  	[sflag:s20] =	ssyncset.done $0x0  }
0xe9: {  	[sflag:s20] =	ssyncadd.s32 $0xFFFFFF80  }
.Ltmp2:
0xea: {  	_ =	swait.ge [sflag:s20], $0x80;
	(pc) =	sbr.rel @p0 .LBB2_6-.Ltmp2, $4  }
0xeb: {  	[sflag:s20] =	ssyncset.done $0x0  }
0xec: {  	[sflag:s20] =	ssyncadd.s32 $0xFFFFFF80  }
0xed: {  	_ =	swait.ge [sflag:s20], $0x80  }
0xee: {  	s28 =	sshra.s32 s26, $0x2;
	s1 =	smov.u32 s25;
	[sflag:s20] =	ssyncset.done $0x0  }
0xef: {  	s1 =	sadd.s32 $0xE100, s28;
	[sflag:s20] =	ssyncadd.s32 $0xFFFFFF80  }
0xf0: {  	[spmem:s2] =	stream.indirect.scatter.add.s32 [tilespmem:s19], [sflag:$0x1], $0x1, s1, s18, $0xb8;
	[tilespmem:$0x15890] =	vst v63  }
0xf1: {  	s31 =	sadd.s32 $0xE180, s28  }
0xf2: {  	[spmem:s2] =	stream.indirect.scatter.add.s32 [tilespmem:s19], [sflag:$0x1], $0x1, s31, s18, $0xb8;
	[tilespmem:$0x15890] =	vst v63  }
0xf3: {  	s9 =	sadd.s32 $0xE200, s28  }
0xf4: {  	[spmem:s2] =	stream.indirect.scatter.add.s32 [tilespmem:s19], [sflag:$0x1], $0x1, s9, s18, $0xb8;
	[tilespmem:$0x15890] =	vst v63  }
0xf5: {  	s25 =	sadd.s32 $0xE280, s28  }
0xf6: {  	[spmem:s2] =	stream.indirect.scatter.add.s32 [tilespmem:s19], [sflag:$0x1], $0x1, s25, s18, $0xb8;
	[tilespmem:$0x15890] =	vst v63  }
0xf7: {  	s26 =	sadd.s32 $0xE300, s28  }
0xf8: {  	[spmem:s2] =	stream.indirect.scatter.add.s32 [tilespmem:s19], [sflag:$0x1], $0x1, s26, s18, $0xb8;
	[tilespmem:$0x15890] =	vst v63  }
0xf9: {  	s31 =	sadd.s32 $0xE380, s28  }
0xfa: {  	[spmem:s2] =	stream.indirect.scatter.add.s32 [tilespmem:s19], [sflag:$0x1], $0x1, s31, s18, $0xb8;
	[tilespmem:$0x15890] =	vst v63  }
0xfb: {  	s9 =	sadd.s32 $0xE400, s28  }
0xfc: {  	[spmem:s2] =	stream.indirect.scatter.add.s32 [tilespmem:s19], [sflag:$0x1], $0x1, s9, s18, $0xb8;
	[tilespmem:$0x15890] =	vst v63  }
0xfd: {  	s25 =	sadd.s32 $0xE480, s28  }
0xfe: {  	[spmem:s2] =	stream.indirect.scatter.add.s32 [tilespmem:s19], [sflag:$0x1], $0x1, s25, s18, $0xb8;
	[tilespmem:$0x15890] =	vst v63  }
0xff: {  	s26 =	sadd.s32 $0xE500, s28  }
0x100: {  	[spmem:s2] =	stream.indirect.scatter.add.s32 [tilespmem:s19], [sflag:$0x1], $0x1, s26, s18, $0xb8;
	[tilespmem:$0x15890] =	vst v63  }
0x101: {  	s31 =	sadd.s32 $0xE580, s28  }
0x102: {  	[spmem:s2] =	stream.indirect.scatter.add.s32 [tilespmem:s19], [sflag:$0x1], $0x1, s31, s18, $0xb8;
	[tilespmem:$0x15890] =	vst v63  }
0x103: {  	_ =	swait.ge [sflag:s20], $0x80  }
0x104: {  	[sflag:s20] =	ssyncset.done $0x0  }
0x105: {  	[sflag:s20] =	ssyncadd.s32 $0xFFFFFF80  }
0x106: {  	_ =	swait.ge [sflag:s20], $0x80  }
0x107: {  	[sflag:s20] =	ssyncset.done $0x0  }
0x108: {  	[sflag:s20] =	ssyncadd.s32 $0xFFFFFF80  }
0x109: {  	_ =	swait.ge [sflag:s20], $0x80  }
0x10a: {  	[sflag:s20] =	ssyncset.done $0x0  }
0x10b: {  	[sflag:s20] =	ssyncadd.s32 $0xFFFFFF80  }
0x10c: {  	_ =	swait.ge [sflag:s20], $0x80  }
0x10d: {  	[sflag:s20] =	ssyncset.done $0x0  }
0x10e: {  	[sflag:s20] =	ssyncadd.s32 $0xFFFFFF80  }
0x10f: {  	_ =	swait.ge [sflag:s20], $0x80  }
0x110: {  	[sflag:s20] =	ssyncset.done $0x0  }
0x111: {  	[sflag:s20] =	ssyncadd.s32 $0xFFFFFF80  }
0x112: {  	_ =	swait.ge [sflag:s20], $0x80  }
0x113: {  	[sflag:s20] =	ssyncset.done $0x0  }
0x114: {  	[sflag:s20] =	ssyncadd.s32 $0xFFFFFF80  }
0x115: {  	_ =	swait.ge [sflag:s20], $0x80  }
0x116: {  	[sflag:s20] =	ssyncset.done $0x0  }
0x117: {  	[sflag:s20] =	ssyncadd.s32 $0xFFFFFF80  }
0x118: {  	_ =	swait.ge [sflag:s20], $0x80  }
0x119: {  	[sflag:s20] =	ssyncset.done $0x0  }
0x11a: {  	[sflag:s20] =	ssyncadd.s32 $0xFFFFFF80  }
0x11b: {  	_ =	swait.ge [sflag:s20], $0x80  }
0x11c: {  	[sflag:s20] =	ssyncset.done $0x0  }
0x11d: {  	[sflag:s20] =	ssyncadd.s32 $0xFFFFFF80  }
0x11e: {  	_ =	swait.ge [sflag:s20], $0x80  }
0x11f: {  	[sflag:s20] =	ssyncset.done $0x0  }
0x120: {  	[sflag:s20] =	ssyncadd.s32 $0xFFFFFF80  }
0x121: {  	s25 =	simm.s32 $0x13700;
	[bflag:$0x0] =	sbarrier.arrive $0xFFFF  }
0x122: {  	[tilespmem:s25], [sflag:$0x2] =	stream.linear.gather [spmem:s8], $0x800, $0x38;
	[tilespmem:$0x15890] =	vst v63  }
0x123: {  	_ =	swait.ge [sflag:s14], $0x800  }
0x124: {  	[sflag:s14] =	ssyncset.done $0x0  }
0x125: {  	s26 =	simm.s32 $0x0;
	[sflag:s14] =	ssyncadd.s32 $0xFFFFF800  }
0x126: {  	[hbm4b:s10+s26] =	stream.linear.scatter [tilespmem:s25], [sflag:$0x2], $0x800, $0x38;
	[tilespmem:$0x15890] =	vst v63  }
0x127: {  	_ =	swait.ge [sflag:s14], $0x800  }
0x128: {  	s29 =	simm.s32 $0x13F00;
	[sflag:s14] =	ssyncset.done $0x0  }
0x129: {  	s30 =	smov.u32 s0;
	s28 =	simm.s32 $0x14700;
	[sflag:s14] =	ssyncadd.s32 $0xFFFFF800  }
.LBB2_8:
0x12a: {  	v6 =	vmov s25;
	_ =	sdelay $0x3  }
0x12b: {  	s1 =	simm.s32 $0x0  }
0x12c: {  	v7 =	vld.idx.msk [tilespmem:v6+s1+$0x0 ss:$0x1], $0xffff;
	_ =	sdelay $0x1  }
0x12d: {  	v5 =	vmov s29  }
0x12e: {  	v4 =	vmov s28;
	_ =	sdelay $0x1  }
0x12f: {  	vm0 =	veq.s32 v7, $0x0  }
0x130: {  	v7 =	vsel vm0, $0x1, v3  }
0x131: {  	[tilespmem:v5+s1+$0x0 ss:$0x1] =	vst.idx.msk $0xffff, v7;
	v7 =	vmov s30  }
0x132: {  	s31 =	simm.s32 $0x10;
	[tilespmem:v4+s1+$0x0 ss:$0x1] =	vst.idx.msk $0xffff, v7  }
0x133: {  	s9 =	smov.u32 s30;
	s1 =	simm.s32 $0x80;
	v7 =	vld.idx.msk [tilespmem:v6+s31+$0x0 ss:$0x1], $0xffff  }
.LBB2_9:
0x134: {  	p0 =	sne.s32 s1, $0x1C0;
	_ =	sdelay $0x4  }
.Ltmp3:
0x135: {  	vm0 =	veq.s32 v7, $0x0;
	(pc) =	sbr.rel @p0 .LBB2_9-.Ltmp3, $4  }
0x136: {  	s9 =	sadd.s32 $0x1, s9;
	v7 =	vsel vm0, $0x1, v3  }
0x137: {  	[tilespmem:v5+s31+$0x0 ss:$0x1] =	vst.idx.msk $0xffff, v7;
	v7 =	vmov s9  }
0x138: {  	[tilespmem:v4+s31+$0x0 ss:$0x1] =	vst.idx.msk $0xffff, v7;
	s31 =	sshra.s32 s1, $0x2  }
0x139: {  	s1 =	sadd.s32 $0x40, s1;
	v7 =	vld.idx.msk [tilespmem:v6+s31+$0x0 ss:$0x1], $0xffff  }
0x13a: {  	_ = 	snop  }
0x13b: {  	s26 =	sadd.s32 $0x1, s26  }
0x13c: {  	p0 =	sne.s32 s26, $0x10  }
.Ltmp4:
0x13d: {  	_ = 	snop;
	(pc) =	sbr.rel @p0 .LBB2_8-.Ltmp4, $4  }
0x13e: {  	vm0 =	veq.s32 v7, $0x0  }
0x13f: {  	s1 =	sadd.s32 $0x1, s9;
	v6 =	vsel vm0, $0x1, v3  }
0x140: {  	s28 =	sadd.s32 $0x80, s28;
	[tilespmem:v5+s31+$0x0 ss:$0x1] =	vst.idx.msk $0xffff, v6;
	v5 =	vmov s1  }
0x141: {  	s29 =	sadd.s32 $0x80, s29;
	s30 =	sadd.s32 $0x8, s30;
	s25 =	sadd.s32 $0x80, s25;
	[tilespmem:v4+s31+$0x0 ss:$0x1] =	vst.idx.msk $0xffff, v5  }
0x142: {  	s1 =	simm.s32 $0x14700;
	s9 =	simm.s32 $0x13F00  }
0x143: {  	[spmem:s2] =	stream.indirect.scatter.add.s32 [tilespmem:s9], [sflag:$0x2], $0x1, s1, s18, $0xb8;
	[tilespmem:$0x15890] =	vst v63  }
0x144: {  	_ =	swait.ge [sflag:s14], $0x80  }
0x145: {  	[sflag:s14] =	ssyncset.done $0x0  }
0x146: {  	s25 =	simm.s32 $0x14780;
	s26 =	simm.s32 $0x13F80;
	[sflag:s14] =	ssyncadd.s32 $0xFFFFFF80  }
0x147: {  	[spmem:s2] =	stream.indirect.scatter.add.s32 [tilespmem:s26], [sflag:$0x2], $0x1, s25, s18, $0xb8;
	[tilespmem:$0x15890] =	vst v63  }
0x148: {  	_ =	swait.ge [sflag:s14], $0x80  }
0x149: {  	[sflag:s14] =	ssyncset.done $0x0  }
0x14a: {  	s28 =	simm.s32 $0x14800;
	s29 =	simm.s32 $0x14000;
	[sflag:s14] =	ssyncadd.s32 $0xFFFFFF80  }
0x14b: {  	[spmem:s2] =	stream.indirect.scatter.add.s32 [tilespmem:s29], [sflag:$0x2], $0x1, s28, s18, $0xb8;
	[tilespmem:$0x15890] =	vst v63  }
0x14c: {  	_ =	swait.ge [sflag:s14], $0x80  }
0x14d: {  	[sflag:s14] =	ssyncset.done $0x0  }
0x14e: {  	s30 =	simm.s32 $0x14880;
	s31 =	simm.s32 $0x14080;
	[sflag:s14] =	ssyncadd.s32 $0xFFFFFF80  }
0x14f: {  	[spmem:s2] =	stream.indirect.scatter.add.s32 [tilespmem:s31], [sflag:$0x2], $0x1, s30, s18, $0xb8;
	[tilespmem:$0x15890] =	vst v63  }
0x150: {  	_ =	swait.ge [sflag:s14], $0x80  }
0x151: {  	[sflag:s14] =	ssyncset.done $0x0  }
0x152: {  	s25 =	simm.s32 $0x14900;
	s26 =	simm.s32 $0x14100;
	[sflag:s14] =	ssyncadd.s32 $0xFFFFFF80  }
0x153: {  	[spmem:s2] =	stream.indirect.scatter.add.s32 [tilespmem:s26], [sflag:$0x2], $0x1, s25, s18, $0xb8;
	[tilespmem:$0x15890] =	vst v63  }
0x154: {  	_ =	swait.ge [sflag:s14], $0x80  }
0x155: {  	[sflag:s14] =	ssyncset.done $0x0  }
0x156: {  	s28 =	simm.s32 $0x14980;
	s29 =	simm.s32 $0x14180;
	[sflag:s14] =	ssyncadd.s32 $0xFFFFFF80  }
0x157: {  	[spmem:s2] =	stream.indirect.scatter.add.s32 [tilespmem:s29], [sflag:$0x2], $0x1, s28, s18, $0xb8;
	[tilespmem:$0x15890] =	vst v63  }
0x158: {  	_ =	swait.ge [sflag:s14], $0x80  }
0x159: {  	[sflag:s14] =	ssyncset.done $0x0  }
0x15a: {  	s30 =	simm.s32 $0x14A00;
	s31 =	simm.s32 $0x14200;
	[sflag:s14] =	ssyncadd.s32 $0xFFFFFF80  }
0x15b: {  	[spmem:s2] =	stream.indirect.scatter.add.s32 [tilespmem:s31], [sflag:$0x2], $0x1, s30, s18, $0xb8;
	[tilespmem:$0x15890] =	vst v63  }
0x15c: {  	_ =	swait.ge [sflag:s14], $0x80  }
0x15d: {  	[sflag:s14] =	ssyncset.done $0x0  }
0x15e: {  	s25 =	simm.s32 $0x14A80;
	s26 =	simm.s32 $0x14280;
	[sflag:s14] =	ssyncadd.s32 $0xFFFFFF80  }
0x15f: {  	[spmem:s2] =	stream.indirect.scatter.add.s32 [tilespmem:s26], [sflag:$0x2], $0x1, s25, s18, $0xb8;
	[tilespmem:$0x15890] =	vst v63  }
0x160: {  	_ =	swait.ge [sflag:s14], $0x80  }
0x161: {  	[sflag:s14] =	ssyncset.done $0x0  }
0x162: {  	s28 =	simm.s32 $0x14B00;
	s29 =	simm.s32 $0x14300;
	[sflag:s14] =	ssyncadd.s32 $0xFFFFFF80  }
0x163: {  	[spmem:s2] =	stream.indirect.scatter.add.s32 [tilespmem:s29], [sflag:$0x2], $0x1, s28, s18, $0xb8;
	[tilespmem:$0x15890] =	vst v63  }
0x164: {  	_ =	swait.ge [sflag:s14], $0x80  }
0x165: {  	[sflag:s14] =	ssyncset.done $0x0  }
0x166: {  	s30 =	simm.s32 $0x14B80;
	s31 =	simm.s32 $0x14380;
	[sflag:s14] =	ssyncadd.s32 $0xFFFFFF80  }
0x167: {  	[spmem:s2] =	stream.indirect.scatter.add.s32 [tilespmem:s31], [sflag:$0x2], $0x1, s30, s18, $0xb8;
	[tilespmem:$0x15890] =	vst v63  }
0x168: {  	_ =	swait.ge [sflag:s14], $0x80  }
0x169: {  	[sflag:s14] =	ssyncset.done $0x0  }
0x16a: {  	s9 =	simm.s32 $0x14C00;
	s25 =	simm.s32 $0x14400;
	[sflag:s14] =	ssyncadd.s32 $0xFFFFFF80  }
0x16b: {  	[spmem:s2] =	stream.indirect.scatter.add.s32 [tilespmem:s25], [sflag:$0x2], $0x1, s9, s18, $0xb8;
	[tilespmem:$0x15890] =	vst v63  }
0x16c: {  	_ =	swait.ge [sflag:s14], $0x80  }
0x16d: {  	[sflag:s14] =	ssyncset.done $0x0  }
0x16e: {  	s26 =	simm.s32 $0x14C80;
	s28 =	simm.s32 $0x14480;
	[sflag:s14] =	ssyncadd.s32 $0xFFFFFF80  }
0x16f: {  	[spmem:s2] =	stream.indirect.scatter.add.s32 [tilespmem:s28], [sflag:$0x2], $0x1, s26, s18, $0xb8;
	[tilespmem:$0x15890] =	vst v63  }
0x170: {  	_ =	swait.ge [sflag:s14], $0x80  }
0x171: {  	[sflag:s14] =	ssyncset.done $0x0  }
0x172: {  	s29 =	simm.s32 $0x14D00;
	s30 =	simm.s32 $0x14500;
	[sflag:s14] =	ssyncadd.s32 $0xFFFFFF80  }
0x173: {  	[spmem:s2] =	stream.indirect.scatter.add.s32 [tilespmem:s30], [sflag:$0x2], $0x1, s29, s18, $0xb8;
	[tilespmem:$0x15890] =	vst v63  }
0x174: {  	_ =	swait.ge [sflag:s14], $0x80  }
0x175: {  	[sflag:s14] =	ssyncset.done $0x0  }
0x176: {  	s31 =	simm.s32 $0x14D80;
	[sflag:s14] =	ssyncadd.s32 $0xFFFFFF80  }
0x177: {  	[spmem:s2] =	stream.indirect.scatter.add.s32 [tilespmem:s15], [sflag:$0x2], $0x1, s31, s18, $0xb8;
	[tilespmem:$0x15890] =	vst v63  }
0x178: {  	_ =	swait.ge [sflag:s14], $0x80  }
0x179: {  	[sflag:s14] =	ssyncset.done $0x0  }
0x17a: {  	[sflag:s14] =	ssyncadd.s32 $0xFFFFFF80  }
0x17b: {  	[spmem:s2] =	stream.indirect.scatter.add.s32 [tilespmem:s17], [sflag:$0x2], $0x1, s16, s18, $0xb8;
	[tilespmem:$0x15890] =	vst v63  }
0x17c: {  	_ =	swait.ge [sflag:s14], $0x80  }
0x17d: {  	[sflag:s14] =	ssyncset.done $0x0  }
0x17e: {  	[sflag:s14] =	ssyncadd.s32 $0xFFFFFF80  }
0x17f: {  	[spmem:s2] =	stream.indirect.scatter.add.s32 [tilespmem:s22], [sflag:$0x2], $0x1, s21, s18, $0xb8;
	[tilespmem:$0x15890] =	vst v63  }
0x180: {  	_ =	swait.ge [sflag:s14], $0x80  }
0x181: {  	[sflag:s14] =	ssyncset.done $0x0  }
0x182: {  	[sflag:s14] =	ssyncadd.s32 $0xFFFFFF80  }
0x183: {  	[bflag:$0x0] =	sbarrier.arrive $0xFFFF  }
0x184: {  	[tilespmem:s23], [sflag:$0x2] =	stream.linear.gather [spmem:s11], $0x80, $0x38;
	[tilespmem:$0x15890] =	vst v63  }
0x185: {  	s24 =	sadd.s32 $0x1, s24;
	_ =	swait.ge [sflag:s14], $0x80  }
0x186: {  	p0 =	sne.s32 s24, s13;
	[sflag:s14] =	ssyncset.done $0x0  }
.Ltmp5:
0x187: {  	[sflag:s14] =	ssyncadd.s32 $0xFFFFFF80;
	(pc) =	sbr.rel @p0 .LBB2_1-.Ltmp5, $4  }
0x188: {  	[hbm4b:s12+s3] =	stream.linear.scatter [tilespmem:s23], [sflag:$0x2], $0x80, $0x38;
	[tilespmem:$0x15890] =	vst v63  }
0x189: {  	_ =	swait.ge [sflag:s14], $0x80  }
0x18a: {  	[sflag:s14] =	ssyncset.done $0x0  }
0x18b: {  	[sflag:s14] =	ssyncadd.s32 $0xFFFFFF80  }
0x18c: {  	_ =	sfence.sel $0x180000  }
0x18d: {  	[bflag:$0x0] =	sbarrier.arrive $0xFFFF  }
0x18e: {  	_ =	strace $0x90000047  }
0x18f: {  	s0 =	stileid.u32;
	[bflag:$0x2] =	sbarrier.arrive $0xFFFF  }
0x190: {  	p0 =	sne.s32 s0, $0x0;
	s0 =	rddreg [dreg:$0x6]  }
0x191: {  	s0 =	sadd.s32 @!p0 $0x100000, s0  }
0x192: {  	[sflag:s0] =	ssyncadd.tile.s32 @!p0 $0x1;
	_ =	shalt  }
.Lfunc_end2:
_tile_overlayer_lowered:
.L_overlay_start_2:
0x193: {  	(tag) =	ssettag $0x2  }
0x194: {  	s0 =	rddreg [dreg:$0x0];
	s2 =	stileid.u32  }
0x195: {  	s1 =	rddreg [dreg:$0x1];
	p0 =	sne.s32 s2, $0x0  }
0x196: {  	s3 =	rddreg [dreg:$0x2];
	[bflag:$0x3] =	sbarrier.arrive $0xFFFF;
	s2 =	simm.s32 @!p0 $0x1C02  }
0x197: {  	[timem:s3], [sflag:s2] =	dma.local @!p0 [hbm:s0], s1  }
0x198: {  	s0 =	simm.s32 @!p0 $0x2  }
0x199: {  	_ =	swait.ge @!p0 [sflag:s0], s1  }
0x19a: {  	s1 =	ssub.s32 @!p0 $0x0, s1;
	[sflag:s0] =	ssyncset.done @!p0 $0x0  }
0x19b: {  	[sflag:s0] =	ssyncadd.s32 @!p0 s1  }
0x19c: {  	[bflag:$0x3] =	sbarrier.arrive $0xFFFF  }
0x19d: {  	_ =	shalt  }

</sc_bundles>
